<compile_context>
chip_gen: v7x
topology: tpu7x:2x2x1
jax: 0.10.2.dev20260603
libtpu: 0.0.44.dev20260713+nightly
codegen_flags: <defaults>
</compile_context>

<pallas_src>
import functools

import jax
import jax.numpy as jnp
from jax import lax
from jax.experimental import pallas as pl
from jax.experimental.pallas import tpu as pltpu
from jax.experimental.pallas import tpu_sc as plsc

D_MODEL = 128
NC, NS = 2, 16
NW = NC * NS
CHUNK = 128
K = 7


def _make_lookup(S, B0):
    assert B0 == NW * CHUNK
    n_chunks = S
    n_groups, _ = divmod(n_chunks - K, K)
    mesh = plsc.VectorSubcoreMesh(core_axis_name="c", subcore_axis_name="s")

    @functools.partial(
        pl.kernel,
        out_type=jax.ShapeDtypeStruct((S * B0, D_MODEL), jnp.float32),
        mesh=mesh,
        scratch_types=[
            pltpu.VMEM((n_chunks, CHUNK), jnp.int32),
            pltpu.VMEM((K, CHUNK, D_MODEL), jnp.float32),
        ]
        + [pltpu.SemaphoreType.DMA] * K,
    )
    def lookup(idx_hbm, table_hbm, out_hbm, idx_v, bufs, *gsems):
        wid = lax.axis_index("s") * NC + lax.axis_index("c")
        pltpu.sync_copy(idx_hbm.at[:, pl.ds(wid * CHUNK, CHUNK)], idx_v)

        def gather_fire(j, b):
            pltpu.async_copy(table_hbm.at[idx_v.at[j]], bufs.at[b], gsems[b])

        def gather_wait(b):
            pltpu.make_async_copy(
                table_hbm.at[idx_v.at[0]], bufs.at[b], gsems[b]
            ).wait()

        def out_copy(j, b):
            pltpu.sync_copy(
                bufs.at[b], out_hbm.at[pl.ds(j * B0 + wid * CHUNK, CHUNK)]
            )

        for b in range(K):
            gather_fire(b, b)

        @pl.loop(0, n_groups)
        def _step(g):
            j0 = g * K
            for b in range(K):
                gather_wait(b)
                out_copy(j0 + b, b)
                gather_fire(j0 + b + K, b)

        for j in range(n_groups * K, n_chunks - K):
            b = j % K
            gather_wait(b)
            out_copy(j, b)
            gather_fire(j + K, b)

        for j in range(n_chunks - K, n_chunks):
            b = j % K
            gather_wait(b)
            out_copy(j, b)

    return lookup


def kernel(token_ids, table):
    B0, S = token_ids.shape
    idx = token_ids.astype(jnp.int32).T
    out = _make_lookup(S, B0)(idx, table)
    return out.reshape(S, B0, D_MODEL).transpose(1, 0, 2)

# --- scband reference (transcript-rebuilt; emitter-appended) ---
"""Pipeline reference for scband-embedding-84198538870805 (READ-ONLY COPY).

The authoritative reference and input builder live on the scoring server;
editing this copy changes nothing except your own understanding.
"""

import jax, jax.numpy as jnp
import numpy as np

VOCAB = 100000
D_MODEL = 128

def setup_inputs(seed: int = 0) -> dict:
    key = jax.random.key(seed)
    k_idx, k_tab = jax.random.split(key)
    token_ids = jax.random.randint(k_idx, (4096, 50), 0, VOCAB, dtype=jnp.int64 if jax.config.jax_enable_x64 else jnp.int32)
    table = jax.random.normal(k_tab, (VOCAB, D_MODEL), dtype=jnp.float32)
    return {"token_ids": token_ids, "table": table}

def reference(token_ids, table):
    # nn.Embedding forward: gather rows of the embedding table
    return jnp.take(table, token_ids, axis=0)

if __name__ == "__main__":
    import jax
    _d = setup_inputs()
    print(jax.jit(kernel)(*tuple(_d.values())))

</pallas_src>

<mosaic_0001>
#map = affine_map<(d0, d1) -> (0, 0)>
module attributes {stable_mosaic.version = 14 : i64} {
  func.func @lookup(%arg0: i32, %arg1: i32, %arg2: memref<50x4096xi32, #tpu.memory_space<hbm>>, %arg3: memref<100000x128xf32, #tpu.memory_space<hbm>>, %arg4: memref<204800x128xf32, #tpu.memory_space<hbm>>, %arg5: memref<50x128xi32, #tpu.memory_space<vmem>>, %arg6: memref<7x128x128xf32, #tpu.memory_space<vmem>>, %arg7: memref<!tpu.dma_semaphore, #tpu.memory_space<semaphore_mem>>, %arg8: memref<!tpu.dma_semaphore, #tpu.memory_space<semaphore_mem>>, %arg9: memref<!tpu.dma_semaphore, #tpu.memory_space<semaphore_mem>>, %arg10: memref<!tpu.dma_semaphore, #tpu.memory_space<semaphore_mem>>, %arg11: memref<!tpu.dma_semaphore, #tpu.memory_space<semaphore_mem>>, %arg12: memref<!tpu.dma_semaphore, #tpu.memory_space<semaphore_mem>>, %arg13: memref<!tpu.dma_semaphore, #tpu.memory_space<semaphore_mem>>) attributes {dimension_semantics = [#tpu.dimension_semantics<core_parallel>, #tpu.dimension_semantics<subcore_parallel>], iteration_bounds = array<i64: 2, 16>, scalar_prefetch = 0 : i64, scratch_operands = 9 : i64, tpu.core_type = #tpu.core_type<sc_vector_subcore>, window_params = [{transform_indices = #map}, {transform_indices = #map}, {transform_indices = #map}]} {
    %mul3A = arith.constant 2 : i32
    %mul3A_0 = arith.muli %arg1, %mul3A : i32
    %add3A = arith.addi %mul3A_0, %arg0 : i32
    %mul3A_1 = arith.constant 128 : i32
    %mul3A_2 = arith.muli %add3A, %mul3A_1 : i32
    "tpu.region"() ({
      %run_scoped3A_236 = tpu.sem_alloc : memref<!tpu.dma_semaphore, #tpu.memory_space<semaphore_mem>>
      %dma_start3A_237 = arith.constant 0 : i32
      %dma_start3A_238 = tpu.memref_slice %arg2[%dma_start3A_237, %mul3A_2] : memref<50x4096xi32, #tpu.memory_space<hbm>> -> memref<50x128xi32, #tpu.memory_space<hbm>>
      %dma_start3A_239 = arith.constant 0 : i32
      %dma_start3A_240 = tpu.memref_slice %arg2[%dma_start3A_239, %mul3A_2] : memref<50x4096xi32, #tpu.memory_space<hbm>> -> memref<50x128xi32, #tpu.memory_space<hbm>>
      tpu.enqueue_dma source(%dma_start3A_240 : memref<50x128xi32, #tpu.memory_space<hbm>>) target(%arg5 : memref<50x128xi32, #tpu.memory_space<vmem>>) target_semaphore(%run_scoped3A_236 : memref<!tpu.dma_semaphore, #tpu.memory_space<semaphore_mem>>)
      %dma_wait3A_241 = arith.constant 0 : i32
      %dma_wait3A_242 = tpu.memref_slice %arg2[%dma_wait3A_241, %mul3A_2] : memref<50x4096xi32, #tpu.memory_space<hbm>> -> memref<50x128xi32, #tpu.memory_space<hbm>>
      %dma_wait3A_243 = arith.constant 0 : i32
      %dma_wait3A_244 = tpu.memref_slice %arg2[%dma_wait3A_243, %mul3A_2] : memref<50x4096xi32, #tpu.memory_space<hbm>> -> memref<50x128xi32, #tpu.memory_space<hbm>>
      tpu.wait_dma2 semaphore(%run_scoped3A_236 : memref<!tpu.dma_semaphore, #tpu.memory_space<semaphore_mem>>) src(%dma_wait3A_244 : memref<50x128xi32, #tpu.memory_space<hbm>>) dst(%arg5 : memref<50x128xi32, #tpu.memory_space<vmem>>)
      tpu.yield
    }) : () -> ()
    %dma_start3A = arith.constant 0 : i32
    %dma_start3A_3 = arith.constant 0 : i32
    %dma_start3A_4 = arith.constant 0 : i32
    %dma_start3A_5 = arith.constant 0 : i32
    %dma_start3A_6 = tpu.memref_slice %arg6[%dma_start3A_3, %dma_start3A_4, %dma_start3A_5] : memref<7x128x128xf32, #tpu.memory_space<vmem>> -> memref<1x128x128xf32, #tpu.memory_space<vmem>>
    %dma_start3A_7 = tpu.memref_squeeze %dma_start3A_6 : memref<1x128x128xf32, #tpu.memory_space<vmem>> -> memref<128x128xf32, #tpu.memory_space<vmem>>
    %dma_start3A_8 = arith.constant 0 : i32
    %dma_start3A_9 = tpu.memref_slice %arg5[%dma_start3A, %dma_start3A_8] : memref<50x128xi32, #tpu.memory_space<vmem>> -> memref<1x128xi32, #tpu.memory_space<vmem>>
    %dma_start3A_10 = tpu.memref_squeeze %dma_start3A_9 : memref<1x128xi32, #tpu.memory_space<vmem>> -> memref<128xi32, #tpu.memory_space<vmem>>
    %dma_start3A_11 = arith.constant 0 : i32
    %dma_start3A_12 = arith.constant 0 : i32
    %dma_start3A_13 = tpu.memref_slice %arg3[%dma_start3A_11, %dma_start3A_12] : memref<100000x128xf32, #tpu.memory_space<hbm>> -> memref<100000x128xf32, #tpu.memory_space<hbm>>
    tpu.enqueue_indirect_dma source(%dma_start3A_13 : memref<100000x128xf32, #tpu.memory_space<hbm>>) target(%dma_start3A_7 : memref<128x128xf32, #tpu.memory_space<vmem>>) offsets(%dma_start3A_10 : memref<128xi32, #tpu.memory_space<vmem>>) semaphore(%arg7 : memref<!tpu.dma_semaphore, #tpu.memory_space<semaphore_mem>>)
    %dma_start3A_14 = arith.constant 1 : i32
    %dma_start3A_15 = arith.constant 1 : i32
    %dma_start3A_16 = arith.constant 0 : i32
    %dma_start3A_17 = arith.constant 0 : i32
    %dma_start3A_18 = tpu.memref_slice %arg6[%dma_start3A_15, %dma_start3A_16, %dma_start3A_17] : memref<7x128x128xf32, #tpu.memory_space<vmem>> -> memref<1x128x128xf32, #tpu.memory_space<vmem>>
    %dma_start3A_19 = tpu.memref_squeeze %dma_start3A_18 : memref<1x128x128xf32, #tpu.memory_space<vmem>> -> memref<128x128xf32, #tpu.memory_space<vmem>>
    %dma_start3A_20 = arith.constant 0 : i32
    %dma_start3A_21 = tpu.memref_slice %arg5[%dma_start3A_14, %dma_start3A_20] : memref<50x128xi32, #tpu.memory_space<vmem>> -> memref<1x128xi32, #tpu.memory_space<vmem>>
    %dma_start3A_22 = tpu.memref_squeeze %dma_start3A_21 : memref<1x128xi32, #tpu.memory_space<vmem>> -> memref<128xi32, #tpu.memory_space<vmem>>
    %dma_start3A_23 = arith.constant 0 : i32
    %dma_start3A_24 = arith.constant 0 : i32
    %dma_start3A_25 = tpu.memref_slice %arg3[%dma_start3A_23, %dma_start3A_24] : memref<100000x128xf32, #tpu.memory_space<hbm>> -> memref<100000x128xf32, #tpu.memory_space<hbm>>
    tpu.enqueue_indirect_dma source(%dma_start3A_25 : memref<100000x128xf32, #tpu.memory_space<hbm>>) target(%dma_start3A_19 : memref<128x128xf32, #tpu.memory_space<vmem>>) offsets(%dma_start3A_22 : memref<128xi32, #tpu.memory_space<vmem>>) semaphore(%arg8 : memref<!tpu.dma_semaphore, #tpu.memory_space<semaphore_mem>>)
    %dma_start3A_26 = arith.constant 2 : i32
    %dma_start3A_27 = arith.constant 2 : i32
    %dma_start3A_28 = arith.constant 0 : i32
    %dma_start3A_29 = arith.constant 0 : i32
    %dma_start3A_30 = tpu.memref_slice %arg6[%dma_start3A_27, %dma_start3A_28, %dma_start3A_29] : memref<7x128x128xf32, #tpu.memory_space<vmem>> -> memref<1x128x128xf32, #tpu.memory_space<vmem>>
    %dma_start3A_31 = tpu.memref_squeeze %dma_start3A_30 : memref<1x128x128xf32, #tpu.memory_space<vmem>> -> memref<128x128xf32, #tpu.memory_space<vmem>>
    %dma_start3A_32 = arith.constant 0 : i32
    %dma_start3A_33 = tpu.memref_slice %arg5[%dma_start3A_26, %dma_start3A_32] : memref<50x128xi32, #tpu.memory_space<vmem>> -> memref<1x128xi32, #tpu.memory_space<vmem>>
    %dma_start3A_34 = tpu.memref_squeeze %dma_start3A_33 : memref<1x128xi32, #tpu.memory_space<vmem>> -> memref<128xi32, #tpu.memory_space<vmem>>
    %dma_start3A_35 = arith.constant 0 : i32
    %dma_start3A_36 = arith.constant 0 : i32
    %dma_start3A_37 = tpu.memref_slice %arg3[%dma_start3A_35, %dma_start3A_36] : memref<100000x128xf32, #tpu.memory_space<hbm>> -> memref<100000x128xf32, #tpu.memory_space<hbm>>
    tpu.enqueue_indirect_dma source(%dma_start3A_37 : memref<100000x128xf32, #tpu.memory_space<hbm>>) target(%dma_start3A_31 : memref<128x128xf32, #tpu.memory_space<vmem>>) offsets(%dma_start3A_34 : memref<128xi32, #tpu.memory_space<vmem>>) semaphore(%arg9 : memref<!tpu.dma_semaphore, #tpu.memory_space<semaphore_mem>>)
    %dma_start3A_38 = arith.constant 3 : i32
    %dma_start3A_39 = arith.constant 3 : i32
    %dma_start3A_40 = arith.constant 0 : i32
    %dma_start3A_41 = arith.constant 0 : i32
    %dma_start3A_42 = tpu.memref_slice %arg6[%dma_start3A_39, %dma_start3A_40, %dma_start3A_41] : memref<7x128x128xf32, #tpu.memory_space<vmem>> -> memref<1x128x128xf32, #tpu.memory_space<vmem>>
    %dma_start3A_43 = tpu.memref_squeeze %dma_start3A_42 : memref<1x128x128xf32, #tpu.memory_space<vmem>> -> memref<128x128xf32, #tpu.memory_space<vmem>>
    %dma_start3A_44 = arith.constant 0 : i32
    %dma_start3A_45 = tpu.memref_slice %arg5[%dma_start3A_38, %dma_start3A_44] : memref<50x128xi32, #tpu.memory_space<vmem>> -> memref<1x128xi32, #tpu.memory_space<vmem>>
    %dma_start3A_46 = tpu.memref_squeeze %dma_start3A_45 : memref<1x128xi32, #tpu.memory_space<vmem>> -> memref<128xi32, #tpu.memory_space<vmem>>
    %dma_start3A_47 = arith.constant 0 : i32
    %dma_start3A_48 = arith.constant 0 : i32
    %dma_start3A_49 = tpu.memref_slice %arg3[%dma_start3A_47, %dma_start3A_48] : memref<100000x128xf32, #tpu.memory_space<hbm>> -> memref<100000x128xf32, #tpu.memory_space<hbm>>
    tpu.enqueue_indirect_dma source(%dma_start3A_49 : memref<100000x128xf32, #tpu.memory_space<hbm>>) target(%dma_start3A_43 : memref<128x128xf32, #tpu.memory_space<vmem>>) offsets(%dma_start3A_46 : memref<128xi32, #tpu.memory_space<vmem>>) semaphore(%arg10 : memref<!tpu.dma_semaphore, #tpu.memory_space<semaphore_mem>>)
    %dma_start3A_50 = arith.constant 4 : i32
    %dma_start3A_51 = arith.constant 4 : i32
    %dma_start3A_52 = arith.constant 0 : i32
    %dma_start3A_53 = arith.constant 0 : i32
    %dma_start3A_54 = tpu.memref_slice %arg6[%dma_start3A_51, %dma_start3A_52, %dma_start3A_53] : memref<7x128x128xf32, #tpu.memory_space<vmem>> -> memref<1x128x128xf32, #tpu.memory_space<vmem>>
    %dma_start3A_55 = tpu.memref_squeeze %dma_start3A_54 : memref<1x128x128xf32, #tpu.memory_space<vmem>> -> memref<128x128xf32, #tpu.memory_space<vmem>>
    %dma_start3A_56 = arith.constant 0 : i32
    %dma_start3A_57 = tpu.memref_slice %arg5[%dma_start3A_50, %dma_start3A_56] : memref<50x128xi32, #tpu.memory_space<vmem>> -> memref<1x128xi32, #tpu.memory_space<vmem>>
    %dma_start3A_58 = tpu.memref_squeeze %dma_start3A_57 : memref<1x128xi32, #tpu.memory_space<vmem>> -> memref<128xi32, #tpu.memory_space<vmem>>
    %dma_start3A_59 = arith.constant 0 : i32
    %dma_start3A_60 = arith.constant 0 : i32
    %dma_start3A_61 = tpu.memref_slice %arg3[%dma_start3A_59, %dma_start3A_60] : memref<100000x128xf32, #tpu.memory_space<hbm>> -> memref<100000x128xf32, #tpu.memory_space<hbm>>
    tpu.enqueue_indirect_dma source(%dma_start3A_61 : memref<100000x128xf32, #tpu.memory_space<hbm>>) target(%dma_start3A_55 : memref<128x128xf32, #tpu.memory_space<vmem>>) offsets(%dma_start3A_58 : memref<128xi32, #tpu.memory_space<vmem>>) semaphore(%arg11 : memref<!tpu.dma_semaphore, #tpu.memory_space<semaphore_mem>>)
    %dma_start3A_62 = arith.constant 5 : i32
    %dma_start3A_63 = arith.constant 5 : i32
    %dma_start3A_64 = arith.constant 0 : i32
    %dma_start3A_65 = arith.constant 0 : i32
    %dma_start3A_66 = tpu.memref_slice %arg6[%dma_start3A_63, %dma_start3A_64, %dma_start3A_65] : memref<7x128x128xf32, #tpu.memory_space<vmem>> -> memref<1x128x128xf32, #tpu.memory_space<vmem>>
    %dma_start3A_67 = tpu.memref_squeeze %dma_start3A_66 : memref<1x128x128xf32, #tpu.memory_space<vmem>> -> memref<128x128xf32, #tpu.memory_space<vmem>>
    %dma_start3A_68 = arith.constant 0 : i32
    %dma_start3A_69 = tpu.memref_slice %arg5[%dma_start3A_62, %dma_start3A_68] : memref<50x128xi32, #tpu.memory_space<vmem>> -> memref<1x128xi32, #tpu.memory_space<vmem>>
    %dma_start3A_70 = tpu.memref_squeeze %dma_start3A_69 : memref<1x128xi32, #tpu.memory_space<vmem>> -> memref<128xi32, #tpu.memory_space<vmem>>
    %dma_start3A_71 = arith.constant 0 : i32
    %dma_start3A_72 = arith.constant 0 : i32
    %dma_start3A_73 = tpu.memref_slice %arg3[%dma_start3A_71, %dma_start3A_72] : memref<100000x128xf32, #tpu.memory_space<hbm>> -> memref<100000x128xf32, #tpu.memory_space<hbm>>
    tpu.enqueue_indirect_dma source(%dma_start3A_73 : memref<100000x128xf32, #tpu.memory_space<hbm>>) target(%dma_start3A_67 : memref<128x128xf32, #tpu.memory_space<vmem>>) offsets(%dma_start3A_70 : memref<128xi32, #tpu.memory_space<vmem>>) semaphore(%arg12 : memref<!tpu.dma_semaphore, #tpu.memory_space<semaphore_mem>>)
    %dma_start3A_74 = arith.constant 6 : i32
    %dma_start3A_75 = arith.constant 6 : i32
    %dma_start3A_76 = arith.constant 0 : i32
    %dma_start3A_77 = arith.constant 0 : i32
    %dma_start3A_78 = tpu.memref_slice %arg6[%dma_start3A_75, %dma_start3A_76, %dma_start3A_77] : memref<7x128x128xf32, #tpu.memory_space<vmem>> -> memref<1x128x128xf32, #tpu.memory_space<vmem>>
    %dma_start3A_79 = tpu.memref_squeeze %dma_start3A_78 : memref<1x128x128xf32, #tpu.memory_space<vmem>> -> memref<128x128xf32, #tpu.memory_space<vmem>>
    %dma_start3A_80 = arith.constant 0 : i32
    %dma_start3A_81 = tpu.memref_slice %arg5[%dma_start3A_74, %dma_start3A_80] : memref<50x128xi32, #tpu.memory_space<vmem>> -> memref<1x128xi32, #tpu.memory_space<vmem>>
    %dma_start3A_82 = tpu.memref_squeeze %dma_start3A_81 : memref<1x128xi32, #tpu.memory_space<vmem>> -> memref<128xi32, #tpu.memory_space<vmem>>
    %dma_start3A_83 = arith.constant 0 : i32
    %dma_start3A_84 = arith.constant 0 : i32
    %dma_start3A_85 = tpu.memref_slice %arg3[%dma_start3A_83, %dma_start3A_84] : memref<100000x128xf32, #tpu.memory_space<hbm>> -> memref<100000x128xf32, #tpu.memory_space<hbm>>
    tpu.enqueue_indirect_dma source(%dma_start3A_85 : memref<100000x128xf32, #tpu.memory_space<hbm>>) target(%dma_start3A_79 : memref<128x128xf32, #tpu.memory_space<vmem>>) offsets(%dma_start3A_82 : memref<128xi32, #tpu.memory_space<vmem>>) semaphore(%arg13 : memref<!tpu.dma_semaphore, #tpu.memory_space<semaphore_mem>>)
    %scan3A = arith.constant 0 : i32
    %scan3A_86 = arith.constant 6 : i32
    %scan3A_87 = arith.addi %scan3A, %scan3A_86 : i32
    %scan3A_88 = arith.constant 1 : i32
    scf.for %scan3A_236 = %scan3A to %scan3A_87 step %scan3A_88  : i32 {
      %mul3A_237 = arith.constant 1 : i32
      %mul3A_238 = arith.muli %scan3A_236, %mul3A_237 : i32
      %add3A_239 = arith.constant 0 : i32
      %add3A_240 = arith.addi %add3A_239, %mul3A_238 : i32
      %mul3A_241 = arith.constant 7 : i32
      %mul3A_242 = arith.muli %add3A_240, %mul3A_241 : i32
      %dma_wait3A_243 = arith.constant 0 : i32
      %dma_wait3A_244 = arith.constant 0 : i32
      %dma_wait3A_245 = arith.constant 0 : i32
      %dma_wait3A_246 = arith.constant 0 : i32
      %dma_wait3A_247 = tpu.memref_slice %arg6[%dma_wait3A_244, %dma_wait3A_245, %dma_wait3A_246] : memref<7x128x128xf32, #tpu.memory_space<vmem>> -> memref<1x128x128xf32, #tpu.memory_space<vmem>>
      %dma_wait3A_248 = tpu.memref_squeeze %dma_wait3A_247 : memref<1x128x128xf32, #tpu.memory_space<vmem>> -> memref<128x128xf32, #tpu.memory_space<vmem>>
      %dma_wait3A_249 = arith.constant 0 : i32
      %dma_wait3A_250 = tpu.memref_slice %arg5[%dma_wait3A_243, %dma_wait3A_249] : memref<50x128xi32, #tpu.memory_space<vmem>> -> memref<1x128xi32, #tpu.memory_space<vmem>>
      %dma_wait3A_251 = tpu.memref_squeeze %dma_wait3A_250 : memref<1x128xi32, #tpu.memory_space<vmem>> -> memref<128xi32, #tpu.memory_space<vmem>>
      %dma_wait3A_252 = arith.constant 0 : i32
      %dma_wait3A_253 = arith.constant 0 : i32
      %dma_wait3A_254 = tpu.memref_slice %arg3[%dma_wait3A_252, %dma_wait3A_253] : memref<100000x128xf32, #tpu.memory_space<hbm>> -> memref<100000x128xf32, #tpu.memory_space<hbm>>
      tpu.wait_indirect_dma semaphore(%arg7 : memref<!tpu.dma_semaphore, #tpu.memory_space<semaphore_mem>>) src(%dma_wait3A_254 : memref<100000x128xf32, #tpu.memory_space<hbm>>) dst(%dma_wait3A_248 : memref<128x128xf32, #tpu.memory_space<vmem>>)
      %add3A_255 = arith.constant 0 : i32
      %add3A_256 = arith.addi %mul3A_242, %add3A_255 : i32
      %mul3A_257 = arith.constant 4096 : i32
      %mul3A_258 = arith.muli %add3A_256, %mul3A_257 : i32
      %mul3A_259 = arith.constant 128 : i32
      %mul3A_260 = arith.muli %add3A, %mul3A_259 : i32
      %add3A_261 = arith.addi %mul3A_258, %mul3A_260 : i32
      %run_scoped3A_262 = arith.constant 0 : i32
      "tpu.region"() ({
        %run_scoped3A_488 = tpu.sem_alloc : memref<!tpu.dma_semaphore, #tpu.memory_space<semaphore_mem>>
        %dma_start3A_489 = arith.constant 0 : i32
        %dma_start3A_490 = arith.constant 0 : i32
        %dma_start3A_491 = tpu.memref_slice %arg6[%run_scoped3A_262, %dma_start3A_489, %dma_start3A_490] : memref<7x128x128xf32, #tpu.memory_space<vmem>> -> memref<1x128x128xf32, #tpu.memory_space<vmem>>
        %dma_start3A_492 = tpu.memref_squeeze %dma_start3A_491 : memref<1x128x128xf32, #tpu.memory_space<vmem>> -> memref<128x128xf32, #tpu.memory_space<vmem>>
        %dma_start3A_493 = arith.constant 0 : i32
        %dma_start3A_494 = tpu.memref_slice %arg4[%add3A_261, %dma_start3A_493] : memref<204800x128xf32, #tpu.memory_space<hbm>> -> memref<128x128xf32, #tpu.memory_space<hbm>>
        %dma_start3A_495 = arith.constant 0 : i32
        %dma_start3A_496 = tpu.memref_slice %arg4[%add3A_261, %dma_start3A_495] : memref<204800x128xf32, #tpu.memory_space<hbm>> -> memref<128x128xf32, #tpu.memory_space<hbm>>
        %dma_start3A_497 = arith.constant 0 : i32
        %dma_start3A_498 = arith.constant 0 : i32
        %dma_start3A_499 = tpu.memref_slice %arg6[%run_scoped3A_262, %dma_start3A_497, %dma_start3A_498] : memref<7x128x128xf32, #tpu.memory_space<vmem>> -> memref<1x128x128xf32, #tpu.memory_space<vmem>>
        %dma_start3A_500 = tpu.memref_squeeze %dma_start3A_499 : memref<1x128x128xf32, #tpu.memory_space<vmem>> -> memref<128x128xf32, #tpu.memory_space<vmem>>
        tpu.enqueue_dma source(%dma_start3A_500 : memref<128x128xf32, #tpu.memory_space<vmem>>) target(%dma_start3A_496 : memref<128x128xf32, #tpu.memory_space<hbm>>) target_semaphore(%run_scoped3A_488 : memref<!tpu.dma_semaphore, #tpu.memory_space<semaphore_mem>>)
        %dma_wait3A_501 = arith.constant 0 : i32
        %dma_wait3A_502 = arith.constant 0 : i32
        %dma_wait3A_503 = tpu.memref_slice %arg6[%run_scoped3A_262, %dma_wait3A_501, %dma_wait3A_502] : memref<7x128x128xf32, #tpu.memory_space<vmem>> -> memref<1x128x128xf32, #tpu.memory_space<vmem>>
        %dma_wait3A_504 = tpu.memref_squeeze %dma_wait3A_503 : memref<1x128x128xf32, #tpu.memory_space<vmem>> -> memref<128x128xf32, #tpu.memory_space<vmem>>
        %dma_wait3A_505 = arith.constant 0 : i32
        %dma_wait3A_506 = tpu.memref_slice %arg4[%add3A_261, %dma_wait3A_505] : memref<204800x128xf32, #tpu.memory_space<hbm>> -> memref<128x128xf32, #tpu.memory_space<hbm>>
        %dma_wait3A_507 = arith.constant 0 : i32
        %dma_wait3A_508 = tpu.memref_slice %arg4[%add3A_261, %dma_wait3A_507] : memref<204800x128xf32, #tpu.memory_space<hbm>> -> memref<128x128xf32, #tpu.memory_space<hbm>>
        %dma_wait3A_509 = arith.constant 0 : i32
        %dma_wait3A_510 = arith.constant 0 : i32
        %dma_wait3A_511 = tpu.memref_slice %arg6[%run_scoped3A_262, %dma_wait3A_509, %dma_wait3A_510] : memref<7x128x128xf32, #tpu.memory_space<vmem>> -> memref<1x128x128xf32, #tpu.memory_space<vmem>>
        %dma_wait3A_512 = tpu.memref_squeeze %dma_wait3A_511 : memref<1x128x128xf32, #tpu.memory_space<vmem>> -> memref<128x128xf32, #tpu.memory_space<vmem>>
        tpu.wait_dma2 semaphore(%run_scoped3A_488 : memref<!tpu.dma_semaphore, #tpu.memory_space<semaphore_mem>>) src(%dma_wait3A_512 : memref<128x128xf32, #tpu.memory_space<vmem>>) dst(%dma_wait3A_508 : memref<128x128xf32, #tpu.memory_space<hbm>>)
        tpu.yield
      }) : () -> ()
      %add3A_263 = arith.constant 0 : i32
      %add3A_264 = arith.addi %mul3A_242, %add3A_263 : i32
      %add3A_265 = arith.constant 7 : i32
      %add3A_266 = arith.addi %add3A_264, %add3A_265 : i32
      %dma_start3A_267 = arith.constant 0 : i32
      %dma_start3A_268 = arith.constant 0 : i32
      %dma_start3A_269 = arith.constant 0 : i32
      %dma_start3A_270 = tpu.memref_slice %arg6[%dma_start3A_267, %dma_start3A_268, %dma_start3A_269] : memref<7x128x128xf32, #tpu.memory_space<vmem>> -> memref<1x128x128xf32, #tpu.memory_space<vmem>>
      %dma_start3A_271 = tpu.memref_squeeze %dma_start3A_270 : memref<1x128x128xf32, #tpu.memory_space<vmem>> -> memref<128x128xf32, #tpu.memory_space<vmem>>
      %dma_start3A_272 = arith.constant 0 : i32
      %dma_start3A_273 = tpu.memref_slice %arg5[%add3A_266, %dma_start3A_272] : memref<50x128xi32, #tpu.memory_space<vmem>> -> memref<1x128xi32, #tpu.memory_space<vmem>>
      %dma_start3A_274 = tpu.memref_squeeze %dma_start3A_273 : memref<1x128xi32, #tpu.memory_space<vmem>> -> memref<128xi32, #tpu.memory_space<vmem>>
      %dma_start3A_275 = arith.constant 0 : i32
      %dma_start3A_276 = arith.constant 0 : i32
      %dma_start3A_277 = tpu.memref_slice %arg3[%dma_start3A_275, %dma_start3A_276] : memref<100000x128xf32, #tpu.memory_space<hbm>> -> memref<100000x128xf32, #tpu.memory_space<hbm>>
      tpu.enqueue_indirect_dma source(%dma_start3A_277 : memref<100000x128xf32, #tpu.memory_space<hbm>>) target(%dma_start3A_271 : memref<128x128xf32, #tpu.memory_space<vmem>>) offsets(%dma_start3A_274 : memref<128xi32, #tpu.memory_space<vmem>>) semaphore(%arg7 : memref<!tpu.dma_semaphore, #tpu.memory_space<semaphore_mem>>)
      %dma_wait3A_278 = arith.constant 0 : i32
      %dma_wait3A_279 = arith.constant 1 : i32
      %dma_wait3A_280 = arith.constant 0 : i32
      %dma_wait3A_281 = arith.constant 0 : i32
      %dma_wait3A_282 = tpu.memref_slice %arg6[%dma_wait3A_279, %dma_wait3A_280, %dma_wait3A_281] : memref<7x128x128xf32, #tpu.memory_space<vmem>> -> memref<1x128x128xf32, #tpu.memory_space<vmem>>
      %dma_wait3A_283 = tpu.memref_squeeze %dma_wait3A_282 : memref<1x128x128xf32, #tpu.memory_space<vmem>> -> memref<128x128xf32, #tpu.memory_space<vmem>>
      %dma_wait3A_284 = arith.constant 0 : i32
      %dma_wait3A_285 = tpu.memref_slice %arg5[%dma_wait3A_278, %dma_wait3A_284] : memref<50x128xi32, #tpu.memory_space<vmem>> -> memref<1x128xi32, #tpu.memory_space<vmem>>
      %dma_wait3A_286 = tpu.memref_squeeze %dma_wait3A_285 : memref<1x128xi32, #tpu.memory_space<vmem>> -> memref<128xi32, #tpu.memory_space<vmem>>
      %dma_wait3A_287 = arith.constant 0 : i32
      %dma_wait3A_288 = arith.constant 0 : i32
      %dma_wait3A_289 = tpu.memref_slice %arg3[%dma_wait3A_287, %dma_wait3A_288] : memref<100000x128xf32, #tpu.memory_space<hbm>> -> memref<100000x128xf32, #tpu.memory_space<hbm>>
      tpu.wait_indirect_dma semaphore(%arg8 : memref<!tpu.dma_semaphore, #tpu.memory_space<semaphore_mem>>) src(%dma_wait3A_289 : memref<100000x128xf32, #tpu.memory_space<hbm>>) dst(%dma_wait3A_283 : memref<128x128xf32, #tpu.memory_space<vmem>>)
      %add3A_290 = arith.constant 1 : i32
      %add3A_291 = arith.addi %mul3A_242, %add3A_290 : i32
      %mul3A_292 = arith.constant 4096 : i32
      %mul3A_293 = arith.muli %add3A_291, %mul3A_292 : i32
      %mul3A_294 = arith.constant 128 : i32
      %mul3A_295 = arith.muli %add3A, %mul3A_294 : i32
      %add3A_296 = arith.addi %mul3A_293, %mul3A_295 : i32
      %run_scoped3A_297 = arith.constant 1 : i32
      "tpu.region"() ({
        %run_scoped3A_488 = tpu.sem_alloc : memref<!tpu.dma_semaphore, #tpu.memory_space<semaphore_mem>>
        %dma_start3A_489 = arith.constant 0 : i32
        %dma_start3A_490 = arith.constant 0 : i32
        %dma_start3A_491 = tpu.memref_slice %arg6[%run_scoped3A_297, %dma_start3A_489, %dma_start3A_490] : memref<7x128x128xf32, #tpu.memory_space<vmem>> -> memref<1x128x128xf32, #tpu.memory_space<vmem>>
        %dma_start3A_492 = tpu.memref_squeeze %dma_start3A_491 : memref<1x128x128xf32, #tpu.memory_space<vmem>> -> memref<128x128xf32, #tpu.memory_space<vmem>>
        %dma_start3A_493 = arith.constant 0 : i32
        %dma_start3A_494 = tpu.memref_slice %arg4[%add3A_296, %dma_start3A_493] : memref<204800x128xf32, #tpu.memory_space<hbm>> -> memref<128x128xf32, #tpu.memory_space<hbm>>
        %dma_start3A_495 = arith.constant 0 : i32
        %dma_start3A_496 = tpu.memref_slice %arg4[%add3A_296, %dma_start3A_495] : memref<204800x128xf32, #tpu.memory_space<hbm>> -> memref<128x128xf32, #tpu.memory_space<hbm>>
        %dma_start3A_497 = arith.constant 0 : i32
        %dma_start3A_498 = arith.constant 0 : i32
        %dma_start3A_499 = tpu.memref_slice %arg6[%run_scoped3A_297, %dma_start3A_497, %dma_start3A_498] : memref<7x128x128xf32, #tpu.memory_space<vmem>> -> memref<1x128x128xf32, #tpu.memory_space<vmem>>
        %dma_start3A_500 = tpu.memref_squeeze %dma_start3A_499 : memref<1x128x128xf32, #tpu.memory_space<vmem>> -> memref<128x128xf32, #tpu.memory_space<vmem>>
        tpu.enqueue_dma source(%dma_start3A_500 : memref<128x128xf32, #tpu.memory_space<vmem>>) target(%dma_start3A_496 : memref<128x128xf32, #tpu.memory_space<hbm>>) target_semaphore(%run_scoped3A_488 : memref<!tpu.dma_semaphore, #tpu.memory_space<semaphore_mem>>)
        %dma_wait3A_501 = arith.constant 0 : i32
        %dma_wait3A_502 = arith.constant 0 : i32
        %dma_wait3A_503 = tpu.memref_slice %arg6[%run_scoped3A_297, %dma_wait3A_501, %dma_wait3A_502] : memref<7x128x128xf32, #tpu.memory_space<vmem>> -> memref<1x128x128xf32, #tpu.memory_space<vmem>>
        %dma_wait3A_504 = tpu.memref_squeeze %dma_wait3A_503 : memref<1x128x128xf32, #tpu.memory_space<vmem>> -> memref<128x128xf32, #tpu.memory_space<vmem>>
        %dma_wait3A_505 = arith.constant 0 : i32
        %dma_wait3A_506 = tpu.memref_slice %arg4[%add3A_296, %dma_wait3A_505] : memref<204800x128xf32, #tpu.memory_space<hbm>> -> memref<128x128xf32, #tpu.memory_space<hbm>>
        %dma_wait3A_507 = arith.constant 0 : i32
        %dma_wait3A_508 = tpu.memref_slice %arg4[%add3A_296, %dma_wait3A_507] : memref<204800x128xf32, #tpu.memory_space<hbm>> -> memref<128x128xf32, #tpu.memory_space<hbm>>
        %dma_wait3A_509 = arith.constant 0 : i32
        %dma_wait3A_510 = arith.constant 0 : i32
        %dma_wait3A_511 = tpu.memref_slice %arg6[%run_scoped3A_297, %dma_wait3A_509, %dma_wait3A_510] : memref<7x128x128xf32, #tpu.memory_space<vmem>> -> memref<1x128x128xf32, #tpu.memory_space<vmem>>
        %dma_wait3A_512 = tpu.memref_squeeze %dma_wait3A_511 : memref<1x128x128xf32, #tpu.memory_space<vmem>> -> memref<128x128xf32, #tpu.memory_space<vmem>>
        tpu.wait_dma2 semaphore(%run_scoped3A_488 : memref<!tpu.dma_semaphore, #tpu.memory_space<semaphore_mem>>) src(%dma_wait3A_512 : memref<128x128xf32, #tpu.memory_space<vmem>>) dst(%dma_wait3A_508 : memref<128x128xf32, #tpu.memory_space<hbm>>)
        tpu.yield
      }) : () -> ()
      %add3A_298 = arith.constant 1 : i32
      %add3A_299 = arith.addi %mul3A_242, %add3A_298 : i32
      %add3A_300 = arith.constant 7 : i32
      %add3A_301 = arith.addi %add3A_299, %add3A_300 : i32
      %dma_start3A_302 = arith.constant 1 : i32
      %dma_start3A_303 = arith.constant 0 : i32
      %dma_start3A_304 = arith.constant 0 : i32
      %dma_start3A_305 = tpu.memref_slice %arg6[%dma_start3A_302, %dma_start3A_303, %dma_start3A_304] : memref<7x128x128xf32, #tpu.memory_space<vmem>> -> memref<1x128x128xf32, #tpu.memory_space<vmem>>
      %dma_start3A_306 = tpu.memref_squeeze %dma_start3A_305 : memref<1x128x128xf32, #tpu.memory_space<vmem>> -> memref<128x128xf32, #tpu.memory_space<vmem>>
      %dma_start3A_307 = arith.constant 0 : i32
      %dma_start3A_308 = tpu.memref_slice %arg5[%add3A_301, %dma_start3A_307] : memref<50x128xi32, #tpu.memory_space<vmem>> -> memref<1x128xi32, #tpu.memory_space<vmem>>
      %dma_start3A_309 = tpu.memref_squeeze %dma_start3A_308 : memref<1x128xi32, #tpu.memory_space<vmem>> -> memref<128xi32, #tpu.memory_space<vmem>>
      %dma_start3A_310 = arith.constant 0 : i32
      %dma_start3A_311 = arith.constant 0 : i32
      %dma_start3A_312 = tpu.memref_slice %arg3[%dma_start3A_310, %dma_start3A_311] : memref<100000x128xf32, #tpu.memory_space<hbm>> -> memref<100000x128xf32, #tpu.memory_space<hbm>>
      tpu.enqueue_indirect_dma source(%dma_start3A_312 : memref<100000x128xf32, #tpu.memory_space<hbm>>) target(%dma_start3A_306 : memref<128x128xf32, #tpu.memory_space<vmem>>) offsets(%dma_start3A_309 : memref<128xi32, #tpu.memory_space<vmem>>) semaphore(%arg8 : memref<!tpu.dma_semaphore, #tpu.memory_space<semaphore_mem>>)
      %dma_wait3A_313 = arith.constant 0 : i32
      %dma_wait3A_314 = arith.constant 2 : i32
      %dma_wait3A_315 = arith.constant 0 : i32
      %dma_wait3A_316 = arith.constant 0 : i32
      %dma_wait3A_317 = tpu.memref_slice %arg6[%dma_wait3A_314, %dma_wait3A_315, %dma_wait3A_316] : memref<7x128x128xf32, #tpu.memory_space<vmem>> -> memref<1x128x128xf32, #tpu.memory_space<vmem>>
      %dma_wait3A_318 = tpu.memref_squeeze %dma_wait3A_317 : memref<1x128x128xf32, #tpu.memory_space<vmem>> -> memref<128x128xf32, #tpu.memory_space<vmem>>
      %dma_wait3A_319 = arith.constant 0 : i32
      %dma_wait3A_320 = tpu.memref_slice %arg5[%dma_wait3A_313, %dma_wait3A_319] : memref<50x128xi32, #tpu.memory_space<vmem>> -> memref<1x128xi32, #tpu.memory_space<vmem>>
      %dma_wait3A_321 = tpu.memref_squeeze %dma_wait3A_320 : memref<1x128xi32, #tpu.memory_space<vmem>> -> memref<128xi32, #tpu.memory_space<vmem>>
      %dma_wait3A_322 = arith.constant 0 : i32
      %dma_wait3A_323 = arith.constant 0 : i32
      %dma_wait3A_324 = tpu.memref_slice %arg3[%dma_wait3A_322, %dma_wait3A_323] : memref<100000x128xf32, #tpu.memory_space<hbm>> -> memref<100000x128xf32, #tpu.memory_space<hbm>>
      tpu.wait_indirect_dma semaphore(%arg9 : memref<!tpu.dma_semaphore, #tpu.memory_space<semaphore_mem>>) src(%dma_wait3A_324 : memref<100000x128xf32, #tpu.memory_space<hbm>>) dst(%dma_wait3A_318 : memref<128x128xf32, #tpu.memory_space<vmem>>)
      %add3A_325 = arith.constant 2 : i32
      %add3A_326 = arith.addi %mul3A_242, %add3A_325 : i32
      %mul3A_327 = arith.constant 4096 : i32
      %mul3A_328 = arith.muli %add3A_326, %mul3A_327 : i32
      %mul3A_329 = arith.constant 128 : i32
      %mul3A_330 = arith.muli %add3A, %mul3A_329 : i32
      %add3A_331 = arith.addi %mul3A_328, %mul3A_330 : i32
      %run_scoped3A_332 = arith.constant 2 : i32
      "tpu.region"() ({
        %run_scoped3A_488 = tpu.sem_alloc : memref<!tpu.dma_semaphore, #tpu.memory_space<semaphore_mem>>
        %dma_start3A_489 = arith.constant 0 : i32
        %dma_start3A_490 = arith.constant 0 : i32
        %dma_start3A_491 = tpu.memref_slice %arg6[%run_scoped3A_332, %dma_start3A_489, %dma_start3A_490] : memref<7x128x128xf32, #tpu.memory_space<vmem>> -> memref<1x128x128xf32, #tpu.memory_space<vmem>>
        %dma_start3A_492 = tpu.memref_squeeze %dma_start3A_491 : memref<1x128x128xf32, #tpu.memory_space<vmem>> -> memref<128x128xf32, #tpu.memory_space<vmem>>
        %dma_start3A_493 = arith.constant 0 : i32
        %dma_start3A_494 = tpu.memref_slice %arg4[%add3A_331, %dma_start3A_493] : memref<204800x128xf32, #tpu.memory_space<hbm>> -> memref<128x128xf32, #tpu.memory_space<hbm>>
        %dma_start3A_495 = arith.constant 0 : i32
        %dma_start3A_496 = tpu.memref_slice %arg4[%add3A_331, %dma_start3A_495] : memref<204800x128xf32, #tpu.memory_space<hbm>> -> memref<128x128xf32, #tpu.memory_space<hbm>>
        %dma_start3A_497 = arith.constant 0 : i32
        %dma_start3A_498 = arith.constant 0 : i32
        %dma_start3A_499 = tpu.memref_slice %arg6[%run_scoped3A_332, %dma_start3A_497, %dma_start3A_498] : memref<7x128x128xf32, #tpu.memory_space<vmem>> -> memref<1x128x128xf32, #tpu.memory_space<vmem>>
        %dma_start3A_500 = tpu.memref_squeeze %dma_start3A_499 : memref<1x128x128xf32, #tpu.memory_space<vmem>> -> memref<128x128xf32, #tpu.memory_space<vmem>>
        tpu.enqueue_dma source(%dma_start3A_500 : memref<128x128xf32, #tpu.memory_space<vmem>>) target(%dma_start3A_496 : memref<128x128xf32, #tpu.memory_space<hbm>>) target_semaphore(%run_scoped3A_488 : memref<!tpu.dma_semaphore, #tpu.memory_space<semaphore_mem>>)
        %dma_wait3A_501 = arith.constant 0 : i32
        %dma_wait3A_502 = arith.constant 0 : i32
        %dma_wait3A_503 = tpu.memref_slice %arg6[%run_scoped3A_332, %dma_wait3A_501, %dma_wait3A_502] : memref<7x128x128xf32, #tpu.memory_space<vmem>> -> memref<1x128x128xf32, #tpu.memory_space<vmem>>
        %dma_wait3A_504 = tpu.memref_squeeze %dma_wait3A_503 : memref<1x128x128xf32, #tpu.memory_space<vmem>> -> memref<128x128xf32, #tpu.memory_space<vmem>>
        %dma_wait3A_505 = arith.constant 0 : i32
        %dma_wait3A_506 = tpu.memref_slice %arg4[%add3A_331, %dma_wait3A_505] : memref<204800x128xf32, #tpu.memory_space<hbm>> -> memref<128x128xf32, #tpu.memory_space<hbm>>
        %dma_wait3A_507 = arith.constant 0 : i32
        %dma_wait3A_508 = tpu.memref_slice %arg4[%add3A_331, %dma_wait3A_507] : memref<204800x128xf32, #tpu.memory_space<hbm>> -> memref<128x128xf32, #tpu.memory_space<hbm>>
        %dma_wait3A_509 = arith.constant 0 : i32
        %dma_wait3A_510 = arith.constant 0 : i32
        %dma_wait3A_511 = tpu.memref_slice %arg6[%run_scoped3A_332, %dma_wait3A_509, %dma_wait3A_510] : memref<7x128x128xf32, #tpu.memory_space<vmem>> -> memref<1x128x128xf32, #tpu.memory_space<vmem>>
        %dma_wait3A_512 = tpu.memref_squeeze %dma_wait3A_511 : memref<1x128x128xf32, #tpu.memory_space<vmem>> -> memref<128x128xf32, #tpu.memory_space<vmem>>
        tpu.wait_dma2 semaphore(%run_scoped3A_488 : memref<!tpu.dma_semaphore, #tpu.memory_space<semaphore_mem>>) src(%dma_wait3A_512 : memref<128x128xf32, #tpu.memory_space<vmem>>) dst(%dma_wait3A_508 : memref<128x128xf32, #tpu.memory_space<hbm>>)
        tpu.yield
      }) : () -> ()
      %add3A_333 = arith.constant 2 : i32
      %add3A_334 = arith.addi %mul3A_242, %add3A_333 : i32
      %add3A_335 = arith.constant 7 : i32
      %add3A_336 = arith.addi %add3A_334, %add3A_335 : i32
      %dma_start3A_337 = arith.constant 2 : i32
      %dma_start3A_338 = arith.constant 0 : i32
      %dma_start3A_339 = arith.constant 0 : i32
      %dma_start3A_340 = tpu.memref_slice %arg6[%dma_start3A_337, %dma_start3A_338, %dma_start3A_339] : memref<7x128x128xf32, #tpu.memory_space<vmem>> -> memref<1x128x128xf32, #tpu.memory_space<vmem>>
      %dma_start3A_341 = tpu.memref_squeeze %dma_start3A_340 : memref<1x128x128xf32, #tpu.memory_space<vmem>> -> memref<128x128xf32, #tpu.memory_space<vmem>>
      %dma_start3A_342 = arith.constant 0 : i32
      %dma_start3A_343 = tpu.memref_slice %arg5[%add3A_336, %dma_start3A_342] : memref<50x128xi32, #tpu.memory_space<vmem>> -> memref<1x128xi32, #tpu.memory_space<vmem>>
      %dma_start3A_344 = tpu.memref_squeeze %dma_start3A_343 : memref<1x128xi32, #tpu.memory_space<vmem>> -> memref<128xi32, #tpu.memory_space<vmem>>
      %dma_start3A_345 = arith.constant 0 : i32
      %dma_start3A_346 = arith.constant 0 : i32
      %dma_start3A_347 = tpu.memref_slice %arg3[%dma_start3A_345, %dma_start3A_346] : memref<100000x128xf32, #tpu.memory_space<hbm>> -> memref<100000x128xf32, #tpu.memory_space<hbm>>
      tpu.enqueue_indirect_dma source(%dma_start3A_347 : memref<100000x128xf32, #tpu.memory_space<hbm>>) target(%dma_start3A_341 : memref<128x128xf32, #tpu.memory_space<vmem>>) offsets(%dma_start3A_344 : memref<128xi32, #tpu.memory_space<vmem>>) semaphore(%arg9 : memref<!tpu.dma_semaphore, #tpu.memory_space<semaphore_mem>>)
      %dma_wait3A_348 = arith.constant 0 : i32
      %dma_wait3A_349 = arith.constant 3 : i32
      %dma_wait3A_350 = arith.constant 0 : i32
      %dma_wait3A_351 = arith.constant 0 : i32
      %dma_wait3A_352 = tpu.memref_slice %arg6[%dma_wait3A_349, %dma_wait3A_350, %dma_wait3A_351] : memref<7x128x128xf32, #tpu.memory_space<vmem>> -> memref<1x128x128xf32, #tpu.memory_space<vmem>>
      %dma_wait3A_353 = tpu.memref_squeeze %dma_wait3A_352 : memref<1x128x128xf32, #tpu.memory_space<vmem>> -> memref<128x128xf32, #tpu.memory_space<vmem>>
      %dma_wait3A_354 = arith.constant 0 : i32
      %dma_wait3A_355 = tpu.memref_slice %arg5[%dma_wait3A_348, %dma_wait3A_354] : memref<50x128xi32, #tpu.memory_space<vmem>> -> memref<1x128xi32, #tpu.memory_space<vmem>>
      %dma_wait3A_356 = tpu.memref_squeeze %dma_wait3A_355 : memref<1x128xi32, #tpu.memory_space<vmem>> -> memref<128xi32, #tpu.memory_space<vmem>>
      %dma_wait3A_357 = arith.constant 0 : i32
      %dma_wait3A_358 = arith.constant 0 : i32
      %dma_wait3A_359 = tpu.memref_slice %arg3[%dma_wait3A_357, %dma_wait3A_358] : memref<100000x128xf32, #tpu.memory_space<hbm>> -> memref<100000x128xf32, #tpu.memory_space<hbm>>
      tpu.wait_indirect_dma semaphore(%arg10 : memref<!tpu.dma_semaphore, #tpu.memory_space<semaphore_mem>>) src(%dma_wait3A_359 : memref<100000x128xf32, #tpu.memory_space<hbm>>) dst(%dma_wait3A_353 : memref<128x128xf32, #tpu.memory_space<vmem>>)
      %add3A_360 = arith.constant 3 : i32
      %add3A_361 = arith.addi %mul3A_242, %add3A_360 : i32
      %mul3A_362 = arith.constant 4096 : i32
      %mul3A_363 = arith.muli %add3A_361, %mul3A_362 : i32
      %mul3A_364 = arith.constant 128 : i32
      %mul3A_365 = arith.muli %add3A, %mul3A_364 : i32
      %add3A_366 = arith.addi %mul3A_363, %mul3A_365 : i32
      %run_scoped3A_367 = arith.constant 3 : i32
      "tpu.region"() ({
        %run_scoped3A_488 = tpu.sem_alloc : memref<!tpu.dma_semaphore, #tpu.memory_space<semaphore_mem>>
        %dma_start3A_489 = arith.constant 0 : i32
        %dma_start3A_490 = arith.constant 0 : i32
        %dma_start3A_491 = tpu.memref_slice %arg6[%run_scoped3A_367, %dma_start3A_489, %dma_start3A_490] : memref<7x128x128xf32, #tpu.memory_space<vmem>> -> memref<1x128x128xf32, #tpu.memory_space<vmem>>
        %dma_start3A_492 = tpu.memref_squeeze %dma_start3A_491 : memref<1x128x128xf32, #tpu.memory_space<vmem>> -> memref<128x128xf32, #tpu.memory_space<vmem>>
        %dma_start3A_493 = arith.constant 0 : i32
        %dma_start3A_494 = tpu.memref_slice %arg4[%add3A_366, %dma_start3A_493] : memref<204800x128xf32, #tpu.memory_space<hbm>> -> memref<128x128xf32, #tpu.memory_space<hbm>>
        %dma_start3A_495 = arith.constant 0 : i32
        %dma_start3A_496 = tpu.memref_slice %arg4[%add3A_366, %dma_start3A_495] : memref<204800x128xf32, #tpu.memory_space<hbm>> -> memref<128x128xf32, #tpu.memory_space<hbm>>
        %dma_start3A_497 = arith.constant 0 : i32
        %dma_start3A_498 = arith.constant 0 : i32
        %dma_start3A_499 = tpu.memref_slice %arg6[%run_scoped3A_367, %dma_start3A_497, %dma_start3A_498] : memref<7x128x128xf32, #tpu.memory_space<vmem>> -> memref<1x128x128xf32, #tpu.memory_space<vmem>>
        %dma_start3A_500 = tpu.memref_squeeze %dma_start3A_499 : memref<1x128x128xf32, #tpu.memory_space<vmem>> -> memref<128x128xf32, #tpu.memory_space<vmem>>
        tpu.enqueue_dma source(%dma_start3A_500 : memref<128x128xf32, #tpu.memory_space<vmem>>) target(%dma_start3A_496 : memref<128x128xf32, #tpu.memory_space<hbm>>) target_semaphore(%run_scoped3A_488 : memref<!tpu.dma_semaphore, #tpu.memory_space<semaphore_mem>>)
        %dma_wait3A_501 = arith.constant 0 : i32
        %dma_wait3A_502 = arith.constant 0 : i32
        %dma_wait3A_503 = tpu.memref_slice %arg6[%run_scoped3A_367, %dma_wait3A_501, %dma_wait3A_502] : memref<7x128x128xf32, #tpu.memory_space<vmem>> -> memref<1x128x128xf32, #tpu.memory_space<vmem>>
        %dma_wait3A_504 = tpu.memref_squeeze %dma_wait3A_503 : memref<1x128x128xf32, #tpu.memory_space<vmem>> -> memref<128x128xf32, #tpu.memory_space<vmem>>
        %dma_wait3A_505 = arith.constant 0 : i32
        %dma_wait3A_506 = tpu.memref_slice %arg4[%add3A_366, %dma_wait3A_505] : memref<204800x128xf32, #tpu.memory_space<hbm>> -> memref<128x128xf32, #tpu.memory_space<hbm>>
        %dma_wait3A_507 = arith.constant 0 : i32
        %dma_wait3A_508 = tpu.memref_slice %arg4[%add3A_366, %dma_wait3A_507] : memref<204800x128xf32, #tpu.memory_space<hbm>> -> memref<128x128xf32, #tpu.memory_space<hbm>>
        %dma_wait3A_509 = arith.constant 0 : i32
        %dma_wait3A_510 = arith.constant 0 : i32
        %dma_wait3A_511 = tpu.memref_slice %arg6[%run_scoped3A_367, %dma_wait3A_509, %dma_wait3A_510] : memref<7x128x128xf32, #tpu.memory_space<vmem>> -> memref<1x128x128xf32, #tpu.memory_space<vmem>>
        %dma_wait3A_512 = tpu.memref_squeeze %dma_wait3A_511 : memref<1x128x128xf32, #tpu.memory_space<vmem>> -> memref<128x128xf32, #tpu.memory_space<vmem>>
        tpu.wait_dma2 semaphore(%run_scoped3A_488 : memref<!tpu.dma_semaphore, #tpu.memory_space<semaphore_mem>>) src(%dma_wait3A_512 : memref<128x128xf32, #tpu.memory_space<vmem>>) dst(%dma_wait3A_508 : memref<128x128xf32, #tpu.memory_space<hbm>>)
        tpu.yield
      }) : () -> ()
      %add3A_368 = arith.constant 3 : i32
      %add3A_369 = arith.addi %mul3A_242, %add3A_368 : i32
      %add3A_370 = arith.constant 7 : i32
      %add3A_371 = arith.addi %add3A_369, %add3A_370 : i32
      %dma_start3A_372 = arith.constant 3 : i32
      %dma_start3A_373 = arith.constant 0 : i32
      %dma_start3A_374 = arith.constant 0 : i32
      %dma_start3A_375 = tpu.memref_slice %arg6[%dma_start3A_372, %dma_start3A_373, %dma_start3A_374] : memref<7x128x128xf32, #tpu.memory_space<vmem>> -> memref<1x128x128xf32, #tpu.memory_space<vmem>>
      %dma_start3A_376 = tpu.memref_squeeze %dma_start3A_375 : memref<1x128x128xf32, #tpu.memory_space<vmem>> -> memref<128x128xf32, #tpu.memory_space<vmem>>
      %dma_start3A_377 = arith.constant 0 : i32
      %dma_start3A_378 = tpu.memref_slice %arg5[%add3A_371, %dma_start3A_377] : memref<50x128xi32, #tpu.memory_space<vmem>> -> memref<1x128xi32, #tpu.memory_space<vmem>>
      %dma_start3A_379 = tpu.memref_squeeze %dma_start3A_378 : memref<1x128xi32, #tpu.memory_space<vmem>> -> memref<128xi32, #tpu.memory_space<vmem>>
      %dma_start3A_380 = arith.constant 0 : i32
      %dma_start3A_381 = arith.constant 0 : i32
      %dma_start3A_382 = tpu.memref_slice %arg3[%dma_start3A_380, %dma_start3A_381] : memref<100000x128xf32, #tpu.memory_space<hbm>> -> memref<100000x128xf32, #tpu.memory_space<hbm>>
      tpu.enqueue_indirect_dma source(%dma_start3A_382 : memref<100000x128xf32, #tpu.memory_space<hbm>>) target(%dma_start3A_376 : memref<128x128xf32, #tpu.memory_space<vmem>>) offsets(%dma_start3A_379 : memref<128xi32, #tpu.memory_space<vmem>>) semaphore(%arg10 : memref<!tpu.dma_semaphore, #tpu.memory_space<semaphore_mem>>)
      %dma_wait3A_383 = arith.constant 0 : i32
      %dma_wait3A_384 = arith.constant 4 : i32
      %dma_wait3A_385 = arith.constant 0 : i32
      %dma_wait3A_386 = arith.constant 0 : i32
      %dma_wait3A_387 = tpu.memref_slice %arg6[%dma_wait3A_384, %dma_wait3A_385, %dma_wait3A_386] : memref<7x128x128xf32, #tpu.memory_space<vmem>> -> memref<1x128x128xf32, #tpu.memory_space<vmem>>
      %dma_wait3A_388 = tpu.memref_squeeze %dma_wait3A_387 : memref<1x128x128xf32, #tpu.memory_space<vmem>> -> memref<128x128xf32, #tpu.memory_space<vmem>>
      %dma_wait3A_389 = arith.constant 0 : i32
      %dma_wait3A_390 = tpu.memref_slice %arg5[%dma_wait3A_383, %dma_wait3A_389] : memref<50x128xi32, #tpu.memory_space<vmem>> -> memref<1x128xi32, #tpu.memory_space<vmem>>
      %dma_wait3A_391 = tpu.memref_squeeze %dma_wait3A_390 : memref<1x128xi32, #tpu.memory_space<vmem>> -> memref<128xi32, #tpu.memory_space<vmem>>
      %dma_wait3A_392 = arith.constant 0 : i32
      %dma_wait3A_393 = arith.constant 0 : i32
      %dma_wait3A_394 = tpu.memref_slice %arg3[%dma_wait3A_392, %dma_wait3A_393] : memref<100000x128xf32, #tpu.memory_space<hbm>> -> memref<100000x128xf32, #tpu.memory_space<hbm>>
      tpu.wait_indirect_dma semaphore(%arg11 : memref<!tpu.dma_semaphore, #tpu.memory_space<semaphore_mem>>) src(%dma_wait3A_394 : memref<100000x128xf32, #tpu.memory_space<hbm>>) dst(%dma_wait3A_388 : memref<128x128xf32, #tpu.memory_space<vmem>>)
      %add3A_395 = arith.constant 4 : i32
      %add3A_396 = arith.addi %mul3A_242, %add3A_395 : i32
      %mul3A_397 = arith.constant 4096 : i32
      %mul3A_398 = arith.muli %add3A_396, %mul3A_397 : i32
      %mul3A_399 = arith.constant 128 : i32
      %mul3A_400 = arith.muli %add3A, %mul3A_399 : i32
      %add3A_401 = arith.addi %mul3A_398, %mul3A_400 : i32
      %run_scoped3A_402 = arith.constant 4 : i32
      "tpu.region"() ({
        %run_scoped3A_488 = tpu.sem_alloc : memref<!tpu.dma_semaphore, #tpu.memory_space<semaphore_mem>>
        %dma_start3A_489 = arith.constant 0 : i32
        %dma_start3A_490 = arith.constant 0 : i32
        %dma_start3A_491 = tpu.memref_slice %arg6[%run_scoped3A_402, %dma_start3A_489, %dma_start3A_490] : memref<7x128x128xf32, #tpu.memory_space<vmem>> -> memref<1x128x128xf32, #tpu.memory_space<vmem>>
        %dma_start3A_492 = tpu.memref_squeeze %dma_start3A_491 : memref<1x128x128xf32, #tpu.memory_space<vmem>> -> memref<128x128xf32, #tpu.memory_space<vmem>>
        %dma_start3A_493 = arith.constant 0 : i32
        %dma_start3A_494 = tpu.memref_slice %arg4[%add3A_401, %dma_start3A_493] : memref<204800x128xf32, #tpu.memory_space<hbm>> -> memref<128x128xf32, #tpu.memory_space<hbm>>
        %dma_start3A_495 = arith.constant 0 : i32
        %dma_start3A_496 = tpu.memref_slice %arg4[%add3A_401, %dma_start3A_495] : memref<204800x128xf32, #tpu.memory_space<hbm>> -> memref<128x128xf32, #tpu.memory_space<hbm>>
        %dma_start3A_497 = arith.constant 0 : i32
        %dma_start3A_498 = arith.constant 0 : i32
        %dma_start3A_499 = tpu.memref_slice %arg6[%run_scoped3A_402, %dma_start3A_497, %dma_start3A_498] : memref<7x128x128xf32, #tpu.memory_space<vmem>> -> memref<1x128x128xf32, #tpu.memory_space<vmem>>
        %dma_start3A_500 = tpu.memref_squeeze %dma_start3A_499 : memref<1x128x128xf32, #tpu.memory_space<vmem>> -> memref<128x128xf32, #tpu.memory_space<vmem>>
        tpu.enqueue_dma source(%dma_start3A_500 : memref<128x128xf32, #tpu.memory_space<vmem>>) target(%dma_start3A_496 : memref<128x128xf32, #tpu.memory_space<hbm>>) target_semaphore(%run_scoped3A_488 : memref<!tpu.dma_semaphore, #tpu.memory_space<semaphore_mem>>)
        %dma_wait3A_501 = arith.constant 0 : i32
        %dma_wait3A_502 = arith.constant 0 : i32
        %dma_wait3A_503 = tpu.memref_slice %arg6[%run_scoped3A_402, %dma_wait3A_501, %dma_wait3A_502] : memref<7x128x128xf32, #tpu.memory_space<vmem>> -> memref<1x128x128xf32, #tpu.memory_space<vmem>>
        %dma_wait3A_504 = tpu.memref_squeeze %dma_wait3A_503 : memref<1x128x128xf32, #tpu.memory_space<vmem>> -> memref<128x128xf32, #tpu.memory_space<vmem>>
        %dma_wait3A_505 = arith.constant 0 : i32
        %dma_wait3A_506 = tpu.memref_slice %arg4[%add3A_401, %dma_wait3A_505] : memref<204800x128xf32, #tpu.memory_space<hbm>> -> memref<128x128xf32, #tpu.memory_space<hbm>>
        %dma_wait3A_507 = arith.constant 0 : i32
        %dma_wait3A_508 = tpu.memref_slice %arg4[%add3A_401, %dma_wait3A_507] : memref<204800x128xf32, #tpu.memory_space<hbm>> -> memref<128x128xf32, #tpu.memory_space<hbm>>
        %dma_wait3A_509 = arith.constant 0 : i32
        %dma_wait3A_510 = arith.constant 0 : i32
        %dma_wait3A_511 = tpu.memref_slice %arg6[%run_scoped3A_402, %dma_wait3A_509, %dma_wait3A_510] : memref<7x128x128xf32, #tpu.memory_space<vmem>> -> memref<1x128x128xf32, #tpu.memory_space<vmem>>
        %dma_wait3A_512 = tpu.memref_squeeze %dma_wait3A_511 : memref<1x128x128xf32, #tpu.memory_space<vmem>> -> memref<128x128xf32, #tpu.memory_space<vmem>>
        tpu.wait_dma2 semaphore(%run_scoped3A_488 : memref<!tpu.dma_semaphore, #tpu.memory_space<semaphore_mem>>) src(%dma_wait3A_512 : memref<128x128xf32, #tpu.memory_space<vmem>>) dst(%dma_wait3A_508 : memref<128x128xf32, #tpu.memory_space<hbm>>)
        tpu.yield
      }) : () -> ()
      %add3A_403 = arith.constant 4 : i32
      %add3A_404 = arith.addi %mul3A_242, %add3A_403 : i32
      %add3A_405 = arith.constant 7 : i32
      %add3A_406 = arith.addi %add3A_404, %add3A_405 : i32
      %dma_start3A_407 = arith.constant 4 : i32
      %dma_start3A_408 = arith.constant 0 : i32
      %dma_start3A_409 = arith.constant 0 : i32
      %dma_start3A_410 = tpu.memref_slice %arg6[%dma_start3A_407, %dma_start3A_408, %dma_start3A_409] : memref<7x128x128xf32, #tpu.memory_space<vmem>> -> memref<1x128x128xf32, #tpu.memory_space<vmem>>
      %dma_start3A_411 = tpu.memref_squeeze %dma_start3A_410 : memref<1x128x128xf32, #tpu.memory_space<vmem>> -> memref<128x128xf32, #tpu.memory_space<vmem>>
      %dma_start3A_412 = arith.constant 0 : i32
      %dma_start3A_413 = tpu.memref_slice %arg5[%add3A_406, %dma_start3A_412] : memref<50x128xi32, #tpu.memory_space<vmem>> -> memref<1x128xi32, #tpu.memory_space<vmem>>
      %dma_start3A_414 = tpu.memref_squeeze %dma_start3A_413 : memref<1x128xi32, #tpu.memory_space<vmem>> -> memref<128xi32, #tpu.memory_space<vmem>>
      %dma_start3A_415 = arith.constant 0 : i32
      %dma_start3A_416 = arith.constant 0 : i32
      %dma_start3A_417 = tpu.memref_slice %arg3[%dma_start3A_415, %dma_start3A_416] : memref<100000x128xf32, #tpu.memory_space<hbm>> -> memref<100000x128xf32, #tpu.memory_space<hbm>>
      tpu.enqueue_indirect_dma source(%dma_start3A_417 : memref<100000x128xf32, #tpu.memory_space<hbm>>) target(%dma_start3A_411 : memref<128x128xf32, #tpu.memory_space<vmem>>) offsets(%dma_start3A_414 : memref<128xi32, #tpu.memory_space<vmem>>) semaphore(%arg11 : memref<!tpu.dma_semaphore, #tpu.memory_space<semaphore_mem>>)
      %dma_wait3A_418 = arith.constant 0 : i32
      %dma_wait3A_419 = arith.constant 5 : i32
      %dma_wait3A_420 = arith.constant 0 : i32
      %dma_wait3A_421 = arith.constant 0 : i32
      %dma_wait3A_422 = tpu.memref_slice %arg6[%dma_wait3A_419, %dma_wait3A_420, %dma_wait3A_421] : memref<7x128x128xf32, #tpu.memory_space<vmem>> -> memref<1x128x128xf32, #tpu.memory_space<vmem>>
      %dma_wait3A_423 = tpu.memref_squeeze %dma_wait3A_422 : memref<1x128x128xf32, #tpu.memory_space<vmem>> -> memref<128x128xf32, #tpu.memory_space<vmem>>
      %dma_wait3A_424 = arith.constant 0 : i32
      %dma_wait3A_425 = tpu.memref_slice %arg5[%dma_wait3A_418, %dma_wait3A_424] : memref<50x128xi32, #tpu.memory_space<vmem>> -> memref<1x128xi32, #tpu.memory_space<vmem>>
      %dma_wait3A_426 = tpu.memref_squeeze %dma_wait3A_425 : memref<1x128xi32, #tpu.memory_space<vmem>> -> memref<128xi32, #tpu.memory_space<vmem>>
      %dma_wait3A_427 = arith.constant 0 : i32
      %dma_wait3A_428 = arith.constant 0 : i32
      %dma_wait3A_429 = tpu.memref_slice %arg3[%dma_wait3A_427, %dma_wait3A_428] : memref<100000x128xf32, #tpu.memory_space<hbm>> -> memref<100000x128xf32, #tpu.memory_space<hbm>>
      tpu.wait_indirect_dma semaphore(%arg12 : memref<!tpu.dma_semaphore, #tpu.memory_space<semaphore_mem>>) src(%dma_wait3A_429 : memref<100000x128xf32, #tpu.memory_space<hbm>>) dst(%dma_wait3A_423 : memref<128x128xf32, #tpu.memory_space<vmem>>)
      %add3A_430 = arith.constant 5 : i32
      %add3A_431 = arith.addi %mul3A_242, %add3A_430 : i32
      %mul3A_432 = arith.constant 4096 : i32
      %mul3A_433 = arith.muli %add3A_431, %mul3A_432 : i32
      %mul3A_434 = arith.constant 128 : i32
      %mul3A_435 = arith.muli %add3A, %mul3A_434 : i32
      %add3A_436 = arith.addi %mul3A_433, %mul3A_435 : i32
      %run_scoped3A_437 = arith.constant 5 : i32
      "tpu.region"() ({
        %run_scoped3A_488 = tpu.sem_alloc : memref<!tpu.dma_semaphore, #tpu.memory_space<semaphore_mem>>
        %dma_start3A_489 = arith.constant 0 : i32
        %dma_start3A_490 = arith.constant 0 : i32
        %dma_start3A_491 = tpu.memref_slice %arg6[%run_scoped3A_437, %dma_start3A_489, %dma_start3A_490] : memref<7x128x128xf32, #tpu.memory_space<vmem>> -> memref<1x128x128xf32, #tpu.memory_space<vmem>>
        %dma_start3A_492 = tpu.memref_squeeze %dma_start3A_491 : memref<1x128x128xf32, #tpu.memory_space<vmem>> -> memref<128x128xf32, #tpu.memory_space<vmem>>
        %dma_start3A_493 = arith.constant 0 : i32
        %dma_start3A_494 = tpu.memref_slice %arg4[%add3A_436, %dma_start3A_493] : memref<204800x128xf32, #tpu.memory_space<hbm>> -> memref<128x128xf32, #tpu.memory_space<hbm>>
        %dma_start3A_495 = arith.constant 0 : i32
        %dma_start3A_496 = tpu.memref_slice %arg4[%add3A_436, %dma_start3A_495] : memref<204800x128xf32, #tpu.memory_space<hbm>> -> memref<128x128xf32, #tpu.memory_space<hbm>>
        %dma_start3A_497 = arith.constant 0 : i32
        %dma_start3A_498 = arith.constant 0 : i32
        %dma_start3A_499 = tpu.memref_slice %arg6[%run_scoped3A_437, %dma_start3A_497, %dma_start3A_498] : memref<7x128x128xf32, #tpu.memory_space<vmem>> -> memref<1x128x128xf32, #tpu.memory_space<vmem>>
        %dma_start3A_500 = tpu.memref_squeeze %dma_start3A_499 : memref<1x128x128xf32, #tpu.memory_space<vmem>> -> memref<128x128xf32, #tpu.memory_space<vmem>>
        tpu.enqueue_dma source(%dma_start3A_500 : memref<128x128xf32, #tpu.memory_space<vmem>>) target(%dma_start3A_496 : memref<128x128xf32, #tpu.memory_space<hbm>>) target_semaphore(%run_scoped3A_488 : memref<!tpu.dma_semaphore, #tpu.memory_space<semaphore_mem>>)
        %dma_wait3A_501 = arith.constant 0 : i32
        %dma_wait3A_502 = arith.constant 0 : i32
        %dma_wait3A_503 = tpu.memref_slice %arg6[%run_scoped3A_437, %dma_wait3A_501, %dma_wait3A_502] : memref<7x128x128xf32, #tpu.memory_space<vmem>> -> memref<1x128x128xf32, #tpu.memory_space<vmem>>
        %dma_wait3A_504 = tpu.memref_squeeze %dma_wait3A_503 : memref<1x128x128xf32, #tpu.memory_space<vmem>> -> memref<128x128xf32, #tpu.memory_space<vmem>>
        %dma_wait3A_505 = arith.constant 0 : i32
        %dma_wait3A_506 = tpu.memref_slice %arg4[%add3A_436, %dma_wait3A_505] : memref<204800x128xf32, #tpu.memory_space<hbm>> -> memref<128x128xf32, #tpu.memory_space<hbm>>
        %dma_wait3A_507 = arith.constant 0 : i32
        %dma_wait3A_508 = tpu.memref_slice %arg4[%add3A_436, %dma_wait3A_507] : memref<204800x128xf32, #tpu.memory_space<hbm>> -> memref<128x128xf32, #tpu.memory_space<hbm>>
        %dma_wait3A_509 = arith.constant 0 : i32
        %dma_wait3A_510 = arith.constant 0 : i32
        %dma_wait3A_511 = tpu.memref_slice %arg6[%run_scoped3A_437, %dma_wait3A_509, %dma_wait3A_510] : memref<7x128x128xf32, #tpu.memory_space<vmem>> -> memref<1x128x128xf32, #tpu.memory_space<vmem>>
        %dma_wait3A_512 = tpu.memref_squeeze %dma_wait3A_511 : memref<1x128x128xf32, #tpu.memory_space<vmem>> -> memref<128x128xf32, #tpu.memory_space<vmem>>
        tpu.wait_dma2 semaphore(%run_scoped3A_488 : memref<!tpu.dma_semaphore, #tpu.memory_space<semaphore_mem>>) src(%dma_wait3A_512 : memref<128x128xf32, #tpu.memory_space<vmem>>) dst(%dma_wait3A_508 : memref<128x128xf32, #tpu.memory_space<hbm>>)
        tpu.yield
      }) : () -> ()
      %add3A_438 = arith.constant 5 : i32
      %add3A_439 = arith.addi %mul3A_242, %add3A_438 : i32
      %add3A_440 = arith.constant 7 : i32
      %add3A_441 = arith.addi %add3A_439, %add3A_440 : i32
      %dma_start3A_442 = arith.constant 5 : i32
      %dma_start3A_443 = arith.constant 0 : i32
      %dma_start3A_444 = arith.constant 0 : i32
      %dma_start3A_445 = tpu.memref_slice %arg6[%dma_start3A_442, %dma_start3A_443, %dma_start3A_444] : memref<7x128x128xf32, #tpu.memory_space<vmem>> -> memref<1x128x128xf32, #tpu.memory_space<vmem>>
      %dma_start3A_446 = tpu.memref_squeeze %dma_start3A_445 : memref<1x128x128xf32, #tpu.memory_space<vmem>> -> memref<128x128xf32, #tpu.memory_space<vmem>>
      %dma_start3A_447 = arith.constant 0 : i32
      %dma_start3A_448 = tpu.memref_slice %arg5[%add3A_441, %dma_start3A_447] : memref<50x128xi32, #tpu.memory_space<vmem>> -> memref<1x128xi32, #tpu.memory_space<vmem>>
      %dma_start3A_449 = tpu.memref_squeeze %dma_start3A_448 : memref<1x128xi32, #tpu.memory_space<vmem>> -> memref<128xi32, #tpu.memory_space<vmem>>
      %dma_start3A_450 = arith.constant 0 : i32
      %dma_start3A_451 = arith.constant 0 : i32
      %dma_start3A_452 = tpu.memref_slice %arg3[%dma_start3A_450, %dma_start3A_451] : memref<100000x128xf32, #tpu.memory_space<hbm>> -> memref<100000x128xf32, #tpu.memory_space<hbm>>
      tpu.enqueue_indirect_dma source(%dma_start3A_452 : memref<100000x128xf32, #tpu.memory_space<hbm>>) target(%dma_start3A_446 : memref<128x128xf32, #tpu.memory_space<vmem>>) offsets(%dma_start3A_449 : memref<128xi32, #tpu.memory_space<vmem>>) semaphore(%arg12 : memref<!tpu.dma_semaphore, #tpu.memory_space<semaphore_mem>>)
      %dma_wait3A_453 = arith.constant 0 : i32
      %dma_wait3A_454 = arith.constant 6 : i32
      %dma_wait3A_455 = arith.constant 0 : i32
      %dma_wait3A_456 = arith.constant 0 : i32
      %dma_wait3A_457 = tpu.memref_slice %arg6[%dma_wait3A_454, %dma_wait3A_455, %dma_wait3A_456] : memref<7x128x128xf32, #tpu.memory_space<vmem>> -> memref<1x128x128xf32, #tpu.memory_space<vmem>>
      %dma_wait3A_458 = tpu.memref_squeeze %dma_wait3A_457 : memref<1x128x128xf32, #tpu.memory_space<vmem>> -> memref<128x128xf32, #tpu.memory_space<vmem>>
      %dma_wait3A_459 = arith.constant 0 : i32
      %dma_wait3A_460 = tpu.memref_slice %arg5[%dma_wait3A_453, %dma_wait3A_459] : memref<50x128xi32, #tpu.memory_space<vmem>> -> memref<1x128xi32, #tpu.memory_space<vmem>>
      %dma_wait3A_461 = tpu.memref_squeeze %dma_wait3A_460 : memref<1x128xi32, #tpu.memory_space<vmem>> -> memref<128xi32, #tpu.memory_space<vmem>>
      %dma_wait3A_462 = arith.constant 0 : i32
      %dma_wait3A_463 = arith.constant 0 : i32
      %dma_wait3A_464 = tpu.memref_slice %arg3[%dma_wait3A_462, %dma_wait3A_463] : memref<100000x128xf32, #tpu.memory_space<hbm>> -> memref<100000x128xf32, #tpu.memory_space<hbm>>
      tpu.wait_indirect_dma semaphore(%arg13 : memref<!tpu.dma_semaphore, #tpu.memory_space<semaphore_mem>>) src(%dma_wait3A_464 : memref<100000x128xf32, #tpu.memory_space<hbm>>) dst(%dma_wait3A_458 : memref<128x128xf32, #tpu.memory_space<vmem>>)
      %add3A_465 = arith.constant 6 : i32
      %add3A_466 = arith.addi %mul3A_242, %add3A_465 : i32
      %mul3A_467 = arith.constant 4096 : i32
      %mul3A_468 = arith.muli %add3A_466, %mul3A_467 : i32
      %mul3A_469 = arith.constant 128 : i32
      %mul3A_470 = arith.muli %add3A, %mul3A_469 : i32
      %add3A_471 = arith.addi %mul3A_468, %mul3A_470 : i32
      %run_scoped3A_472 = arith.constant 6 : i32
      "tpu.region"() ({
        %run_scoped3A_488 = tpu.sem_alloc : memref<!tpu.dma_semaphore, #tpu.memory_space<semaphore_mem>>
        %dma_start3A_489 = arith.constant 0 : i32
        %dma_start3A_490 = arith.constant 0 : i32
        %dma_start3A_491 = tpu.memref_slice %arg6[%run_scoped3A_472, %dma_start3A_489, %dma_start3A_490] : memref<7x128x128xf32, #tpu.memory_space<vmem>> -> memref<1x128x128xf32, #tpu.memory_space<vmem>>
        %dma_start3A_492 = tpu.memref_squeeze %dma_start3A_491 : memref<1x128x128xf32, #tpu.memory_space<vmem>> -> memref<128x128xf32, #tpu.memory_space<vmem>>
        %dma_start3A_493 = arith.constant 0 : i32
        %dma_start3A_494 = tpu.memref_slice %arg4[%add3A_471, %dma_start3A_493] : memref<204800x128xf32, #tpu.memory_space<hbm>> -> memref<128x128xf32, #tpu.memory_space<hbm>>
        %dma_start3A_495 = arith.constant 0 : i32
        %dma_start3A_496 = tpu.memref_slice %arg4[%add3A_471, %dma_start3A_495] : memref<204800x128xf32, #tpu.memory_space<hbm>> -> memref<128x128xf32, #tpu.memory_space<hbm>>
        %dma_start3A_497 = arith.constant 0 : i32
        %dma_start3A_498 = arith.constant 0 : i32
        %dma_start3A_499 = tpu.memref_slice %arg6[%run_scoped3A_472, %dma_start3A_497, %dma_start3A_498] : memref<7x128x128xf32, #tpu.memory_space<vmem>> -> memref<1x128x128xf32, #tpu.memory_space<vmem>>
        %dma_start3A_500 = tpu.memref_squeeze %dma_start3A_499 : memref<1x128x128xf32, #tpu.memory_space<vmem>> -> memref<128x128xf32, #tpu.memory_space<vmem>>
        tpu.enqueue_dma source(%dma_start3A_500 : memref<128x128xf32, #tpu.memory_space<vmem>>) target(%dma_start3A_496 : memref<128x128xf32, #tpu.memory_space<hbm>>) target_semaphore(%run_scoped3A_488 : memref<!tpu.dma_semaphore, #tpu.memory_space<semaphore_mem>>)
        %dma_wait3A_501 = arith.constant 0 : i32
        %dma_wait3A_502 = arith.constant 0 : i32
        %dma_wait3A_503 = tpu.memref_slice %arg6[%run_scoped3A_472, %dma_wait3A_501, %dma_wait3A_502] : memref<7x128x128xf32, #tpu.memory_space<vmem>> -> memref<1x128x128xf32, #tpu.memory_space<vmem>>
        %dma_wait3A_504 = tpu.memref_squeeze %dma_wait3A_503 : memref<1x128x128xf32, #tpu.memory_space<vmem>> -> memref<128x128xf32, #tpu.memory_space<vmem>>
        %dma_wait3A_505 = arith.constant 0 : i32
        %dma_wait3A_506 = tpu.memref_slice %arg4[%add3A_471, %dma_wait3A_505] : memref<204800x128xf32, #tpu.memory_space<hbm>> -> memref<128x128xf32, #tpu.memory_space<hbm>>
        %dma_wait3A_507 = arith.constant 0 : i32
        %dma_wait3A_508 = tpu.memref_slice %arg4[%add3A_471, %dma_wait3A_507] : memref<204800x128xf32, #tpu.memory_space<hbm>> -> memref<128x128xf32, #tpu.memory_space<hbm>>
        %dma_wait3A_509 = arith.constant 0 : i32
        %dma_wait3A_510 = arith.constant 0 : i32
        %dma_wait3A_511 = tpu.memref_slice %arg6[%run_scoped3A_472, %dma_wait3A_509, %dma_wait3A_510] : memref<7x128x128xf32, #tpu.memory_space<vmem>> -> memref<1x128x128xf32, #tpu.memory_space<vmem>>
        %dma_wait3A_512 = tpu.memref_squeeze %dma_wait3A_511 : memref<1x128x128xf32, #tpu.memory_space<vmem>> -> memref<128x128xf32, #tpu.memory_space<vmem>>
        tpu.wait_dma2 semaphore(%run_scoped3A_488 : memref<!tpu.dma_semaphore, #tpu.memory_space<semaphore_mem>>) src(%dma_wait3A_512 : memref<128x128xf32, #tpu.memory_space<vmem>>) dst(%dma_wait3A_508 : memref<128x128xf32, #tpu.memory_space<hbm>>)
        tpu.yield
      }) : () -> ()
      %add3A_473 = arith.constant 6 : i32
      %add3A_474 = arith.addi %mul3A_242, %add3A_473 : i32
      %add3A_475 = arith.constant 7 : i32
      %add3A_476 = arith.addi %add3A_474, %add3A_475 : i32
      %dma_start3A_477 = arith.constant 6 : i32
      %dma_start3A_478 = arith.constant 0 : i32
      %dma_start3A_479 = arith.constant 0 : i32
      %dma_start3A_480 = tpu.memref_slice %arg6[%dma_start3A_477, %dma_start3A_478, %dma_start3A_479] : memref<7x128x128xf32, #tpu.memory_space<vmem>> -> memref<1x128x128xf32, #tpu.memory_space<vmem>>
      %dma_start3A_481 = tpu.memref_squeeze %dma_start3A_480 : memref<1x128x128xf32, #tpu.memory_space<vmem>> -> memref<128x128xf32, #tpu.memory_space<vmem>>
      %dma_start3A_482 = arith.constant 0 : i32
      %dma_start3A_483 = tpu.memref_slice %arg5[%add3A_476, %dma_start3A_482] : memref<50x128xi32, #tpu.memory_space<vmem>> -> memref<1x128xi32, #tpu.memory_space<vmem>>
      %dma_start3A_484 = tpu.memref_squeeze %dma_start3A_483 : memref<1x128xi32, #tpu.memory_space<vmem>> -> memref<128xi32, #tpu.memory_space<vmem>>
      %dma_start3A_485 = arith.constant 0 : i32
      %dma_start3A_486 = arith.constant 0 : i32
      %dma_start3A_487 = tpu.memref_slice %arg3[%dma_start3A_485, %dma_start3A_486] : memref<100000x128xf32, #tpu.memory_space<hbm>> -> memref<100000x128xf32, #tpu.memory_space<hbm>>
      tpu.enqueue_indirect_dma source(%dma_start3A_487 : memref<100000x128xf32, #tpu.memory_space<hbm>>) target(%dma_start3A_481 : memref<128x128xf32, #tpu.memory_space<vmem>>) offsets(%dma_start3A_484 : memref<128xi32, #tpu.memory_space<vmem>>) semaphore(%arg13 : memref<!tpu.dma_semaphore, #tpu.memory_space<semaphore_mem>>)
    }
    %scan3A_89 = arith.constant 6 : i32
    %dma_wait3A = arith.constant 0 : i32
    %dma_wait3A_90 = arith.constant 0 : i32
    %dma_wait3A_91 = arith.constant 0 : i32
    %dma_wait3A_92 = arith.constant 0 : i32
    %dma_wait3A_93 = tpu.memref_slice %arg6[%dma_wait3A_90, %dma_wait3A_91, %dma_wait3A_92] : memref<7x128x128xf32, #tpu.memory_space<vmem>> -> memref<1x128x128xf32, #tpu.memory_space<vmem>>
    %dma_wait3A_94 = tpu.memref_squeeze %dma_wait3A_93 : memref<1x128x128xf32, #tpu.memory_space<vmem>> -> memref<128x128xf32, #tpu.memory_space<vmem>>
    %dma_wait3A_95 = arith.constant 0 : i32
    %dma_wait3A_96 = tpu.memref_slice %arg5[%dma_wait3A, %dma_wait3A_95] : memref<50x128xi32, #tpu.memory_space<vmem>> -> memref<1x128xi32, #tpu.memory_space<vmem>>
    %dma_wait3A_97 = tpu.memref_squeeze %dma_wait3A_96 : memref<1x128xi32, #tpu.memory_space<vmem>> -> memref<128xi32, #tpu.memory_space<vmem>>
    %dma_wait3A_98 = arith.constant 0 : i32
    %dma_wait3A_99 = arith.constant 0 : i32
    %dma_wait3A_100 = tpu.memref_slice %arg3[%dma_wait3A_98, %dma_wait3A_99] : memref<100000x128xf32, #tpu.memory_space<hbm>> -> memref<100000x128xf32, #tpu.memory_space<hbm>>
    tpu.wait_indirect_dma semaphore(%arg7 : memref<!tpu.dma_semaphore, #tpu.memory_space<semaphore_mem>>) src(%dma_wait3A_100 : memref<100000x128xf32, #tpu.memory_space<hbm>>) dst(%dma_wait3A_94 : memref<128x128xf32, #tpu.memory_space<vmem>>)
    %mul3A_101 = arith.constant 128 : i32
    %mul3A_102 = arith.muli %add3A, %mul3A_101 : i32
    %add3A_103 = arith.constant 172032 : i32
    %add3A_104 = arith.addi %add3A_103, %mul3A_102 : i32
    %run_scoped3A = arith.constant 0 : i32
    "tpu.region"() ({
      %run_scoped3A_236 = tpu.sem_alloc : memref<!tpu.dma_semaphore, #tpu.memory_space<semaphore_mem>>
      %dma_start3A_237 = arith.constant 0 : i32
      %dma_start3A_238 = arith.constant 0 : i32
      %dma_start3A_239 = tpu.memref_slice %arg6[%run_scoped3A, %dma_start3A_237, %dma_start3A_238] : memref<7x128x128xf32, #tpu.memory_space<vmem>> -> memref<1x128x128xf32, #tpu.memory_space<vmem>>
      %dma_start3A_240 = tpu.memref_squeeze %dma_start3A_239 : memref<1x128x128xf32, #tpu.memory_space<vmem>> -> memref<128x128xf32, #tpu.memory_space<vmem>>
      %dma_start3A_241 = arith.constant 0 : i32
      %dma_start3A_242 = tpu.memref_slice %arg4[%add3A_104, %dma_start3A_241] : memref<204800x128xf32, #tpu.memory_space<hbm>> -> memref<128x128xf32, #tpu.memory_space<hbm>>
      %dma_start3A_243 = arith.constant 0 : i32
      %dma_start3A_244 = tpu.memref_slice %arg4[%add3A_104, %dma_start3A_243] : memref<204800x128xf32, #tpu.memory_space<hbm>> -> memref<128x128xf32, #tpu.memory_space<hbm>>
      %dma_start3A_245 = arith.constant 0 : i32
      %dma_start3A_246 = arith.constant 0 : i32
      %dma_start3A_247 = tpu.memref_slice %arg6[%run_scoped3A, %dma_start3A_245, %dma_start3A_246] : memref<7x128x128xf32, #tpu.memory_space<vmem>> -> memref<1x128x128xf32, #tpu.memory_space<vmem>>
      %dma_start3A_248 = tpu.memref_squeeze %dma_start3A_247 : memref<1x128x128xf32, #tpu.memory_space<vmem>> -> memref<128x128xf32, #tpu.memory_space<vmem>>
      tpu.enqueue_dma source(%dma_start3A_248 : memref<128x128xf32, #tpu.memory_space<vmem>>) target(%dma_start3A_244 : memref<128x128xf32, #tpu.memory_space<hbm>>) target_semaphore(%run_scoped3A_236 : memref<!tpu.dma_semaphore, #tpu.memory_space<semaphore_mem>>)
      %dma_wait3A_249 = arith.constant 0 : i32
      %dma_wait3A_250 = arith.constant 0 : i32
      %dma_wait3A_251 = tpu.memref_slice %arg6[%run_scoped3A, %dma_wait3A_249, %dma_wait3A_250] : memref<7x128x128xf32, #tpu.memory_space<vmem>> -> memref<1x128x128xf32, #tpu.memory_space<vmem>>
      %dma_wait3A_252 = tpu.memref_squeeze %dma_wait3A_251 : memref<1x128x128xf32, #tpu.memory_space<vmem>> -> memref<128x128xf32, #tpu.memory_space<vmem>>
      %dma_wait3A_253 = arith.constant 0 : i32
      %dma_wait3A_254 = tpu.memref_slice %arg4[%add3A_104, %dma_wait3A_253] : memref<204800x128xf32, #tpu.memory_space<hbm>> -> memref<128x128xf32, #tpu.memory_space<hbm>>
      %dma_wait3A_255 = arith.constant 0 : i32
      %dma_wait3A_256 = tpu.memref_slice %arg4[%add3A_104, %dma_wait3A_255] : memref<204800x128xf32, #tpu.memory_space<hbm>> -> memref<128x128xf32, #tpu.memory_space<hbm>>
      %dma_wait3A_257 = arith.constant 0 : i32
      %dma_wait3A_258 = arith.constant 0 : i32
      %dma_wait3A_259 = tpu.memref_slice %arg6[%run_scoped3A, %dma_wait3A_257, %dma_wait3A_258] : memref<7x128x128xf32, #tpu.memory_space<vmem>> -> memref<1x128x128xf32, #tpu.memory_space<vmem>>
      %dma_wait3A_260 = tpu.memref_squeeze %dma_wait3A_259 : memref<1x128x128xf32, #tpu.memory_space<vmem>> -> memref<128x128xf32, #tpu.memory_space<vmem>>
      tpu.wait_dma2 semaphore(%run_scoped3A_236 : memref<!tpu.dma_semaphore, #tpu.memory_space<semaphore_mem>>) src(%dma_wait3A_260 : memref<128x128xf32, #tpu.memory_space<vmem>>) dst(%dma_wait3A_256 : memref<128x128xf32, #tpu.memory_space<hbm>>)
      tpu.yield
    }) : () -> ()
    %dma_start3A_105 = arith.constant 49 : i32
    %dma_start3A_106 = arith.constant 0 : i32
    %dma_start3A_107 = arith.constant 0 : i32
    %dma_start3A_108 = arith.constant 0 : i32
    %dma_start3A_109 = tpu.memref_slice %arg6[%dma_start3A_106, %dma_start3A_107, %dma_start3A_108] : memref<7x128x128xf32, #tpu.memory_space<vmem>> -> memref<1x128x128xf32, #tpu.memory_space<vmem>>
    %dma_start3A_110 = tpu.memref_squeeze %dma_start3A_109 : memref<1x128x128xf32, #tpu.memory_space<vmem>> -> memref<128x128xf32, #tpu.memory_space<vmem>>
    %dma_start3A_111 = arith.constant 0 : i32
    %dma_start3A_112 = tpu.memref_slice %arg5[%dma_start3A_105, %dma_start3A_111] : memref<50x128xi32, #tpu.memory_space<vmem>> -> memref<1x128xi32, #tpu.memory_space<vmem>>
    %dma_start3A_113 = tpu.memref_squeeze %dma_start3A_112 : memref<1x128xi32, #tpu.memory_space<vmem>> -> memref<128xi32, #tpu.memory_space<vmem>>
    %dma_start3A_114 = arith.constant 0 : i32
    %dma_start3A_115 = arith.constant 0 : i32
    %dma_start3A_116 = tpu.memref_slice %arg3[%dma_start3A_114, %dma_start3A_115] : memref<100000x128xf32, #tpu.memory_space<hbm>> -> memref<100000x128xf32, #tpu.memory_space<hbm>>
    tpu.enqueue_indirect_dma source(%dma_start3A_116 : memref<100000x128xf32, #tpu.memory_space<hbm>>) target(%dma_start3A_110 : memref<128x128xf32, #tpu.memory_space<vmem>>) offsets(%dma_start3A_113 : memref<128xi32, #tpu.memory_space<vmem>>) semaphore(%arg7 : memref<!tpu.dma_semaphore, #tpu.memory_space<semaphore_mem>>)
    %dma_wait3A_117 = arith.constant 0 : i32
    %dma_wait3A_118 = arith.constant 1 : i32
    %dma_wait3A_119 = arith.constant 0 : i32
    %dma_wait3A_120 = arith.constant 0 : i32
    %dma_wait3A_121 = tpu.memref_slice %arg6[%dma_wait3A_118, %dma_wait3A_119, %dma_wait3A_120] : memref<7x128x128xf32, #tpu.memory_space<vmem>> -> memref<1x128x128xf32, #tpu.memory_space<vmem>>
    %dma_wait3A_122 = tpu.memref_squeeze %dma_wait3A_121 : memref<1x128x128xf32, #tpu.memory_space<vmem>> -> memref<128x128xf32, #tpu.memory_space<vmem>>
    %dma_wait3A_123 = arith.constant 0 : i32
    %dma_wait3A_124 = tpu.memref_slice %arg5[%dma_wait3A_117, %dma_wait3A_123] : memref<50x128xi32, #tpu.memory_space<vmem>> -> memref<1x128xi32, #tpu.memory_space<vmem>>
    %dma_wait3A_125 = tpu.memref_squeeze %dma_wait3A_124 : memref<1x128xi32, #tpu.memory_space<vmem>> -> memref<128xi32, #tpu.memory_space<vmem>>
    %dma_wait3A_126 = arith.constant 0 : i32
    %dma_wait3A_127 = arith.constant 0 : i32
    %dma_wait3A_128 = tpu.memref_slice %arg3[%dma_wait3A_126, %dma_wait3A_127] : memref<100000x128xf32, #tpu.memory_space<hbm>> -> memref<100000x128xf32, #tpu.memory_space<hbm>>
    tpu.wait_indirect_dma semaphore(%arg8 : memref<!tpu.dma_semaphore, #tpu.memory_space<semaphore_mem>>) src(%dma_wait3A_128 : memref<100000x128xf32, #tpu.memory_space<hbm>>) dst(%dma_wait3A_122 : memref<128x128xf32, #tpu.memory_space<vmem>>)
    %mul3A_129 = arith.constant 128 : i32
    %mul3A_130 = arith.muli %add3A, %mul3A_129 : i32
    %add3A_131 = arith.constant 176128 : i32
    %add3A_132 = arith.addi %add3A_131, %mul3A_130 : i32
    %run_scoped3A_133 = arith.constant 1 : i32
    "tpu.region"() ({
      %run_scoped3A_236 = tpu.sem_alloc : memref<!tpu.dma_semaphore, #tpu.memory_space<semaphore_mem>>
      %dma_start3A_237 = arith.constant 0 : i32
      %dma_start3A_238 = arith.constant 0 : i32
      %dma_start3A_239 = tpu.memref_slice %arg6[%run_scoped3A_133, %dma_start3A_237, %dma_start3A_238] : memref<7x128x128xf32, #tpu.memory_space<vmem>> -> memref<1x128x128xf32, #tpu.memory_space<vmem>>
      %dma_start3A_240 = tpu.memref_squeeze %dma_start3A_239 : memref<1x128x128xf32, #tpu.memory_space<vmem>> -> memref<128x128xf32, #tpu.memory_space<vmem>>
      %dma_start3A_241 = arith.constant 0 : i32
      %dma_start3A_242 = tpu.memref_slice %arg4[%add3A_132, %dma_start3A_241] : memref<204800x128xf32, #tpu.memory_space<hbm>> -> memref<128x128xf32, #tpu.memory_space<hbm>>
      %dma_start3A_243 = arith.constant 0 : i32
      %dma_start3A_244 = tpu.memref_slice %arg4[%add3A_132, %dma_start3A_243] : memref<204800x128xf32, #tpu.memory_space<hbm>> -> memref<128x128xf32, #tpu.memory_space<hbm>>
      %dma_start3A_245 = arith.constant 0 : i32
      %dma_start3A_246 = arith.constant 0 : i32
      %dma_start3A_247 = tpu.memref_slice %arg6[%run_scoped3A_133, %dma_start3A_245, %dma_start3A_246] : memref<7x128x128xf32, #tpu.memory_space<vmem>> -> memref<1x128x128xf32, #tpu.memory_space<vmem>>
      %dma_start3A_248 = tpu.memref_squeeze %dma_start3A_247 : memref<1x128x128xf32, #tpu.memory_space<vmem>> -> memref<128x128xf32, #tpu.memory_space<vmem>>
      tpu.enqueue_dma source(%dma_start3A_248 : memref<128x128xf32, #tpu.memory_space<vmem>>) target(%dma_start3A_244 : memref<128x128xf32, #tpu.memory_space<hbm>>) target_semaphore(%run_scoped3A_236 : memref<!tpu.dma_semaphore, #tpu.memory_space<semaphore_mem>>)
      %dma_wait3A_249 = arith.constant 0 : i32
      %dma_wait3A_250 = arith.constant 0 : i32
      %dma_wait3A_251 = tpu.memref_slice %arg6[%run_scoped3A_133, %dma_wait3A_249, %dma_wait3A_250] : memref<7x128x128xf32, #tpu.memory_space<vmem>> -> memref<1x128x128xf32, #tpu.memory_space<vmem>>
      %dma_wait3A_252 = tpu.memref_squeeze %dma_wait3A_251 : memref<1x128x128xf32, #tpu.memory_space<vmem>> -> memref<128x128xf32, #tpu.memory_space<vmem>>
      %dma_wait3A_253 = arith.constant 0 : i32
      %dma_wait3A_254 = tpu.memref_slice %arg4[%add3A_132, %dma_wait3A_253] : memref<204800x128xf32, #tpu.memory_space<hbm>> -> memref<128x128xf32, #tpu.memory_space<hbm>>
      %dma_wait3A_255 = arith.constant 0 : i32
      %dma_wait3A_256 = tpu.memref_slice %arg4[%add3A_132, %dma_wait3A_255] : memref<204800x128xf32, #tpu.memory_space<hbm>> -> memref<128x128xf32, #tpu.memory_space<hbm>>
      %dma_wait3A_257 = arith.constant 0 : i32
      %dma_wait3A_258 = arith.constant 0 : i32
      %dma_wait3A_259 = tpu.memref_slice %arg6[%run_scoped3A_133, %dma_wait3A_257, %dma_wait3A_258] : memref<7x128x128xf32, #tpu.memory_space<vmem>> -> memref<1x128x128xf32, #tpu.memory_space<vmem>>
      %dma_wait3A_260 = tpu.memref_squeeze %dma_wait3A_259 : memref<1x128x128xf32, #tpu.memory_space<vmem>> -> memref<128x128xf32, #tpu.memory_space<vmem>>
      tpu.wait_dma2 semaphore(%run_scoped3A_236 : memref<!tpu.dma_semaphore, #tpu.memory_space<semaphore_mem>>) src(%dma_wait3A_260 : memref<128x128xf32, #tpu.memory_space<vmem>>) dst(%dma_wait3A_256 : memref<128x128xf32, #tpu.memory_space<hbm>>)
      tpu.yield
    }) : () -> ()
    %dma_wait3A_134 = arith.constant 0 : i32
    %dma_wait3A_135 = arith.constant 2 : i32
    %dma_wait3A_136 = arith.constant 0 : i32
    %dma_wait3A_137 = arith.constant 0 : i32
    %dma_wait3A_138 = tpu.memref_slice %arg6[%dma_wait3A_135, %dma_wait3A_136, %dma_wait3A_137] : memref<7x128x128xf32, #tpu.memory_space<vmem>> -> memref<1x128x128xf32, #tpu.memory_space<vmem>>
    %dma_wait3A_139 = tpu.memref_squeeze %dma_wait3A_138 : memref<1x128x128xf32, #tpu.memory_space<vmem>> -> memref<128x128xf32, #tpu.memory_space<vmem>>
    %dma_wait3A_140 = arith.constant 0 : i32
    %dma_wait3A_141 = tpu.memref_slice %arg5[%dma_wait3A_134, %dma_wait3A_140] : memref<50x128xi32, #tpu.memory_space<vmem>> -> memref<1x128xi32, #tpu.memory_space<vmem>>
    %dma_wait3A_142 = tpu.memref_squeeze %dma_wait3A_141 : memref<1x128xi32, #tpu.memory_space<vmem>> -> memref<128xi32, #tpu.memory_space<vmem>>
    %dma_wait3A_143 = arith.constant 0 : i32
    %dma_wait3A_144 = arith.constant 0 : i32
    %dma_wait3A_145 = tpu.memref_slice %arg3[%dma_wait3A_143, %dma_wait3A_144] : memref<100000x128xf32, #tpu.memory_space<hbm>> -> memref<100000x128xf32, #tpu.memory_space<hbm>>
    tpu.wait_indirect_dma semaphore(%arg9 : memref<!tpu.dma_semaphore, #tpu.memory_space<semaphore_mem>>) src(%dma_wait3A_145 : memref<100000x128xf32, #tpu.memory_space<hbm>>) dst(%dma_wait3A_139 : memref<128x128xf32, #tpu.memory_space<vmem>>)
    %mul3A_146 = arith.constant 128 : i32
    %mul3A_147 = arith.muli %add3A, %mul3A_146 : i32
    %add3A_148 = arith.constant 180224 : i32
    %add3A_149 = arith.addi %add3A_148, %mul3A_147 : i32
    %run_scoped3A_150 = arith.constant 2 : i32
    "tpu.region"() ({
      %run_scoped3A_236 = tpu.sem_alloc : memref<!tpu.dma_semaphore, #tpu.memory_space<semaphore_mem>>
      %dma_start3A_237 = arith.constant 0 : i32
      %dma_start3A_238 = arith.constant 0 : i32
      %dma_start3A_239 = tpu.memref_slice %arg6[%run_scoped3A_150, %dma_start3A_237, %dma_start3A_238] : memref<7x128x128xf32, #tpu.memory_space<vmem>> -> memref<1x128x128xf32, #tpu.memory_space<vmem>>
      %dma_start3A_240 = tpu.memref_squeeze %dma_start3A_239 : memref<1x128x128xf32, #tpu.memory_space<vmem>> -> memref<128x128xf32, #tpu.memory_space<vmem>>
      %dma_start3A_241 = arith.constant 0 : i32
      %dma_start3A_242 = tpu.memref_slice %arg4[%add3A_149, %dma_start3A_241] : memref<204800x128xf32, #tpu.memory_space<hbm>> -> memref<128x128xf32, #tpu.memory_space<hbm>>
      %dma_start3A_243 = arith.constant 0 : i32
      %dma_start3A_244 = tpu.memref_slice %arg4[%add3A_149, %dma_start3A_243] : memref<204800x128xf32, #tpu.memory_space<hbm>> -> memref<128x128xf32, #tpu.memory_space<hbm>>
      %dma_start3A_245 = arith.constant 0 : i32
      %dma_start3A_246 = arith.constant 0 : i32
      %dma_start3A_247 = tpu.memref_slice %arg6[%run_scoped3A_150, %dma_start3A_245, %dma_start3A_246] : memref<7x128x128xf32, #tpu.memory_space<vmem>> -> memref<1x128x128xf32, #tpu.memory_space<vmem>>
      %dma_start3A_248 = tpu.memref_squeeze %dma_start3A_247 : memref<1x128x128xf32, #tpu.memory_space<vmem>> -> memref<128x128xf32, #tpu.memory_space<vmem>>
      tpu.enqueue_dma source(%dma_start3A_248 : memref<128x128xf32, #tpu.memory_space<vmem>>) target(%dma_start3A_244 : memref<128x128xf32, #tpu.memory_space<hbm>>) target_semaphore(%run_scoped3A_236 : memref<!tpu.dma_semaphore, #tpu.memory_space<semaphore_mem>>)
      %dma_wait3A_249 = arith.constant 0 : i32
      %dma_wait3A_250 = arith.constant 0 : i32
      %dma_wait3A_251 = tpu.memref_slice %arg6[%run_scoped3A_150, %dma_wait3A_249, %dma_wait3A_250] : memref<7x128x128xf32, #tpu.memory_space<vmem>> -> memref<1x128x128xf32, #tpu.memory_space<vmem>>
      %dma_wait3A_252 = tpu.memref_squeeze %dma_wait3A_251 : memref<1x128x128xf32, #tpu.memory_space<vmem>> -> memref<128x128xf32, #tpu.memory_space<vmem>>
      %dma_wait3A_253 = arith.constant 0 : i32
      %dma_wait3A_254 = tpu.memref_slice %arg4[%add3A_149, %dma_wait3A_253] : memref<204800x128xf32, #tpu.memory_space<hbm>> -> memref<128x128xf32, #tpu.memory_space<hbm>>
      %dma_wait3A_255 = arith.constant 0 : i32
      %dma_wait3A_256 = tpu.memref_slice %arg4[%add3A_149, %dma_wait3A_255] : memref<204800x128xf32, #tpu.memory_space<hbm>> -> memref<128x128xf32, #tpu.memory_space<hbm>>
      %dma_wait3A_257 = arith.constant 0 : i32
      %dma_wait3A_258 = arith.constant 0 : i32
      %dma_wait3A_259 = tpu.memref_slice %arg6[%run_scoped3A_150, %dma_wait3A_257, %dma_wait3A_258] : memref<7x128x128xf32, #tpu.memory_space<vmem>> -> memref<1x128x128xf32, #tpu.memory_space<vmem>>
      %dma_wait3A_260 = tpu.memref_squeeze %dma_wait3A_259 : memref<1x128x128xf32, #tpu.memory_space<vmem>> -> memref<128x128xf32, #tpu.memory_space<vmem>>
      tpu.wait_dma2 semaphore(%run_scoped3A_236 : memref<!tpu.dma_semaphore, #tpu.memory_space<semaphore_mem>>) src(%dma_wait3A_260 : memref<128x128xf32, #tpu.memory_space<vmem>>) dst(%dma_wait3A_256 : memref<128x128xf32, #tpu.memory_space<hbm>>)
      tpu.yield
    }) : () -> ()
    %dma_wait3A_151 = arith.constant 0 : i32
    %dma_wait3A_152 = arith.constant 3 : i32
    %dma_wait3A_153 = arith.constant 0 : i32
    %dma_wait3A_154 = arith.constant 0 : i32
    %dma_wait3A_155 = tpu.memref_slice %arg6[%dma_wait3A_152, %dma_wait3A_153, %dma_wait3A_154] : memref<7x128x128xf32, #tpu.memory_space<vmem>> -> memref<1x128x128xf32, #tpu.memory_space<vmem>>
    %dma_wait3A_156 = tpu.memref_squeeze %dma_wait3A_155 : memref<1x128x128xf32, #tpu.memory_space<vmem>> -> memref<128x128xf32, #tpu.memory_space<vmem>>
    %dma_wait3A_157 = arith.constant 0 : i32
    %dma_wait3A_158 = tpu.memref_slice %arg5[%dma_wait3A_151, %dma_wait3A_157] : memref<50x128xi32, #tpu.memory_space<vmem>> -> memref<1x128xi32, #tpu.memory_space<vmem>>
    %dma_wait3A_159 = tpu.memref_squeeze %dma_wait3A_158 : memref<1x128xi32, #tpu.memory_space<vmem>> -> memref<128xi32, #tpu.memory_space<vmem>>
    %dma_wait3A_160 = arith.constant 0 : i32
    %dma_wait3A_161 = arith.constant 0 : i32
    %dma_wait3A_162 = tpu.memref_slice %arg3[%dma_wait3A_160, %dma_wait3A_161] : memref<100000x128xf32, #tpu.memory_space<hbm>> -> memref<100000x128xf32, #tpu.memory_space<hbm>>
    tpu.wait_indirect_dma semaphore(%arg10 : memref<!tpu.dma_semaphore, #tpu.memory_space<semaphore_mem>>) src(%dma_wait3A_162 : memref<100000x128xf32, #tpu.memory_space<hbm>>) dst(%dma_wait3A_156 : memref<128x128xf32, #tpu.memory_space<vmem>>)
    %mul3A_163 = arith.constant 128 : i32
    %mul3A_164 = arith.muli %add3A, %mul3A_163 : i32
    %add3A_165 = arith.constant 184320 : i32
    %add3A_166 = arith.addi %add3A_165, %mul3A_164 : i32
    %run_scoped3A_167 = arith.constant 3 : i32
    "tpu.region"() ({
      %run_scoped3A_236 = tpu.sem_alloc : memref<!tpu.dma_semaphore, #tpu.memory_space<semaphore_mem>>
      %dma_start3A_237 = arith.constant 0 : i32
      %dma_start3A_238 = arith.constant 0 : i32
      %dma_start3A_239 = tpu.memref_slice %arg6[%run_scoped3A_167, %dma_start3A_237, %dma_start3A_238] : memref<7x128x128xf32, #tpu.memory_space<vmem>> -> memref<1x128x128xf32, #tpu.memory_space<vmem>>
      %dma_start3A_240 = tpu.memref_squeeze %dma_start3A_239 : memref<1x128x128xf32, #tpu.memory_space<vmem>> -> memref<128x128xf32, #tpu.memory_space<vmem>>
      %dma_start3A_241 = arith.constant 0 : i32
      %dma_start3A_242 = tpu.memref_slice %arg4[%add3A_166, %dma_start3A_241] : memref<204800x128xf32, #tpu.memory_space<hbm>> -> memref<128x128xf32, #tpu.memory_space<hbm>>
      %dma_start3A_243 = arith.constant 0 : i32
      %dma_start3A_244 = tpu.memref_slice %arg4[%add3A_166, %dma_start3A_243] : memref<204800x128xf32, #tpu.memory_space<hbm>> -> memref<128x128xf32, #tpu.memory_space<hbm>>
      %dma_start3A_245 = arith.constant 0 : i32
      %dma_start3A_246 = arith.constant 0 : i32
      %dma_start3A_247 = tpu.memref_slice %arg6[%run_scoped3A_167, %dma_start3A_245, %dma_start3A_246] : memref<7x128x128xf32, #tpu.memory_space<vmem>> -> memref<1x128x128xf32, #tpu.memory_space<vmem>>
      %dma_start3A_248 = tpu.memref_squeeze %dma_start3A_247 : memref<1x128x128xf32, #tpu.memory_space<vmem>> -> memref<128x128xf32, #tpu.memory_space<vmem>>
      tpu.enqueue_dma source(%dma_start3A_248 : memref<128x128xf32, #tpu.memory_space<vmem>>) target(%dma_start3A_244 : memref<128x128xf32, #tpu.memory_space<hbm>>) target_semaphore(%run_scoped3A_236 : memref<!tpu.dma_semaphore, #tpu.memory_space<semaphore_mem>>)
      %dma_wait3A_249 = arith.constant 0 : i32
      %dma_wait3A_250 = arith.constant 0 : i32
      %dma_wait3A_251 = tpu.memref_slice %arg6[%run_scoped3A_167, %dma_wait3A_249, %dma_wait3A_250] : memref<7x128x128xf32, #tpu.memory_space<vmem>> -> memref<1x128x128xf32, #tpu.memory_space<vmem>>
      %dma_wait3A_252 = tpu.memref_squeeze %dma_wait3A_251 : memref<1x128x128xf32, #tpu.memory_space<vmem>> -> memref<128x128xf32, #tpu.memory_space<vmem>>
      %dma_wait3A_253 = arith.constant 0 : i32
      %dma_wait3A_254 = tpu.memref_slice %arg4[%add3A_166, %dma_wait3A_253] : memref<204800x128xf32, #tpu.memory_space<hbm>> -> memref<128x128xf32, #tpu.memory_space<hbm>>
      %dma_wait3A_255 = arith.constant 0 : i32
      %dma_wait3A_256 = tpu.memref_slice %arg4[%add3A_166, %dma_wait3A_255] : memref<204800x128xf32, #tpu.memory_space<hbm>> -> memref<128x128xf32, #tpu.memory_space<hbm>>
      %dma_wait3A_257 = arith.constant 0 : i32
      %dma_wait3A_258 = arith.constant 0 : i32
      %dma_wait3A_259 = tpu.memref_slice %arg6[%run_scoped3A_167, %dma_wait3A_257, %dma_wait3A_258] : memref<7x128x128xf32, #tpu.memory_space<vmem>> -> memref<1x128x128xf32, #tpu.memory_space<vmem>>
      %dma_wait3A_260 = tpu.memref_squeeze %dma_wait3A_259 : memref<1x128x128xf32, #tpu.memory_space<vmem>> -> memref<128x128xf32, #tpu.memory_space<vmem>>
      tpu.wait_dma2 semaphore(%run_scoped3A_236 : memref<!tpu.dma_semaphore, #tpu.memory_space<semaphore_mem>>) src(%dma_wait3A_260 : memref<128x128xf32, #tpu.memory_space<vmem>>) dst(%dma_wait3A_256 : memref<128x128xf32, #tpu.memory_space<hbm>>)
      tpu.yield
    }) : () -> ()
    %dma_wait3A_168 = arith.constant 0 : i32
    %dma_wait3A_169 = arith.constant 4 : i32
    %dma_wait3A_170 = arith.constant 0 : i32
    %dma_wait3A_171 = arith.constant 0 : i32
    %dma_wait3A_172 = tpu.memref_slice %arg6[%dma_wait3A_169, %dma_wait3A_170, %dma_wait3A_171] : memref<7x128x128xf32, #tpu.memory_space<vmem>> -> memref<1x128x128xf32, #tpu.memory_space<vmem>>
    %dma_wait3A_173 = tpu.memref_squeeze %dma_wait3A_172 : memref<1x128x128xf32, #tpu.memory_space<vmem>> -> memref<128x128xf32, #tpu.memory_space<vmem>>
    %dma_wait3A_174 = arith.constant 0 : i32
    %dma_wait3A_175 = tpu.memref_slice %arg5[%dma_wait3A_168, %dma_wait3A_174] : memref<50x128xi32, #tpu.memory_space<vmem>> -> memref<1x128xi32, #tpu.memory_space<vmem>>
    %dma_wait3A_176 = tpu.memref_squeeze %dma_wait3A_175 : memref<1x128xi32, #tpu.memory_space<vmem>> -> memref<128xi32, #tpu.memory_space<vmem>>
    %dma_wait3A_177 = arith.constant 0 : i32
    %dma_wait3A_178 = arith.constant 0 : i32
    %dma_wait3A_179 = tpu.memref_slice %arg3[%dma_wait3A_177, %dma_wait3A_178] : memref<100000x128xf32, #tpu.memory_space<hbm>> -> memref<100000x128xf32, #tpu.memory_space<hbm>>
    tpu.wait_indirect_dma semaphore(%arg11 : memref<!tpu.dma_semaphore, #tpu.memory_space<semaphore_mem>>) src(%dma_wait3A_179 : memref<100000x128xf32, #tpu.memory_space<hbm>>) dst(%dma_wait3A_173 : memref<128x128xf32, #tpu.memory_space<vmem>>)
    %mul3A_180 = arith.constant 128 : i32
    %mul3A_181 = arith.muli %add3A, %mul3A_180 : i32
    %add3A_182 = arith.constant 188416 : i32
    %add3A_183 = arith.addi %add3A_182, %mul3A_181 : i32
    %run_scoped3A_184 = arith.constant 4 : i32
    "tpu.region"() ({
      %run_scoped3A_236 = tpu.sem_alloc : memref<!tpu.dma_semaphore, #tpu.memory_space<semaphore_mem>>
      %dma_start3A_237 = arith.constant 0 : i32
      %dma_start3A_238 = arith.constant 0 : i32
      %dma_start3A_239 = tpu.memref_slice %arg6[%run_scoped3A_184, %dma_start3A_237, %dma_start3A_238] : memref<7x128x128xf32, #tpu.memory_space<vmem>> -> memref<1x128x128xf32, #tpu.memory_space<vmem>>
      %dma_start3A_240 = tpu.memref_squeeze %dma_start3A_239 : memref<1x128x128xf32, #tpu.memory_space<vmem>> -> memref<128x128xf32, #tpu.memory_space<vmem>>
      %dma_start3A_241 = arith.constant 0 : i32
      %dma_start3A_242 = tpu.memref_slice %arg4[%add3A_183, %dma_start3A_241] : memref<204800x128xf32, #tpu.memory_space<hbm>> -> memref<128x128xf32, #tpu.memory_space<hbm>>
      %dma_start3A_243 = arith.constant 0 : i32
      %dma_start3A_244 = tpu.memref_slice %arg4[%add3A_183, %dma_start3A_243] : memref<204800x128xf32, #tpu.memory_space<hbm>> -> memref<128x128xf32, #tpu.memory_space<hbm>>
      %dma_start3A_245 = arith.constant 0 : i32
      %dma_start3A_246 = arith.constant 0 : i32
      %dma_start3A_247 = tpu.memref_slice %arg6[%run_scoped3A_184, %dma_start3A_245, %dma_start3A_246] : memref<7x128x128xf32, #tpu.memory_space<vmem>> -> memref<1x128x128xf32, #tpu.memory_space<vmem>>
      %dma_start3A_248 = tpu.memref_squeeze %dma_start3A_247 : memref<1x128x128xf32, #tpu.memory_space<vmem>> -> memref<128x128xf32, #tpu.memory_space<vmem>>
      tpu.enqueue_dma source(%dma_start3A_248 : memref<128x128xf32, #tpu.memory_space<vmem>>) target(%dma_start3A_244 : memref<128x128xf32, #tpu.memory_space<hbm>>) target_semaphore(%run_scoped3A_236 : memref<!tpu.dma_semaphore, #tpu.memory_space<semaphore_mem>>)
      %dma_wait3A_249 = arith.constant 0 : i32
      %dma_wait3A_250 = arith.constant 0 : i32
      %dma_wait3A_251 = tpu.memref_slice %arg6[%run_scoped3A_184, %dma_wait3A_249, %dma_wait3A_250] : memref<7x128x128xf32, #tpu.memory_space<vmem>> -> memref<1x128x128xf32, #tpu.memory_space<vmem>>
      %dma_wait3A_252 = tpu.memref_squeeze %dma_wait3A_251 : memref<1x128x128xf32, #tpu.memory_space<vmem>> -> memref<128x128xf32, #tpu.memory_space<vmem>>
      %dma_wait3A_253 = arith.constant 0 : i32
      %dma_wait3A_254 = tpu.memref_slice %arg4[%add3A_183, %dma_wait3A_253] : memref<204800x128xf32, #tpu.memory_space<hbm>> -> memref<128x128xf32, #tpu.memory_space<hbm>>
      %dma_wait3A_255 = arith.constant 0 : i32
      %dma_wait3A_256 = tpu.memref_slice %arg4[%add3A_183, %dma_wait3A_255] : memref<204800x128xf32, #tpu.memory_space<hbm>> -> memref<128x128xf32, #tpu.memory_space<hbm>>
      %dma_wait3A_257 = arith.constant 0 : i32
      %dma_wait3A_258 = arith.constant 0 : i32
      %dma_wait3A_259 = tpu.memref_slice %arg6[%run_scoped3A_184, %dma_wait3A_257, %dma_wait3A_258] : memref<7x128x128xf32, #tpu.memory_space<vmem>> -> memref<1x128x128xf32, #tpu.memory_space<vmem>>
      %dma_wait3A_260 = tpu.memref_squeeze %dma_wait3A_259 : memref<1x128x128xf32, #tpu.memory_space<vmem>> -> memref<128x128xf32, #tpu.memory_space<vmem>>
      tpu.wait_dma2 semaphore(%run_scoped3A_236 : memref<!tpu.dma_semaphore, #tpu.memory_space<semaphore_mem>>) src(%dma_wait3A_260 : memref<128x128xf32, #tpu.memory_space<vmem>>) dst(%dma_wait3A_256 : memref<128x128xf32, #tpu.memory_space<hbm>>)
      tpu.yield
    }) : () -> ()
    %dma_wait3A_185 = arith.constant 0 : i32
    %dma_wait3A_186 = arith.constant 5 : i32
    %dma_wait3A_187 = arith.constant 0 : i32
    %dma_wait3A_188 = arith.constant 0 : i32
    %dma_wait3A_189 = tpu.memref_slice %arg6[%dma_wait3A_186, %dma_wait3A_187, %dma_wait3A_188] : memref<7x128x128xf32, #tpu.memory_space<vmem>> -> memref<1x128x128xf32, #tpu.memory_space<vmem>>
    %dma_wait3A_190 = tpu.memref_squeeze %dma_wait3A_189 : memref<1x128x128xf32, #tpu.memory_space<vmem>> -> memref<128x128xf32, #tpu.memory_space<vmem>>
    %dma_wait3A_191 = arith.constant 0 : i32
    %dma_wait3A_192 = tpu.memref_slice %arg5[%dma_wait3A_185, %dma_wait3A_191] : memref<50x128xi32, #tpu.memory_space<vmem>> -> memref<1x128xi32, #tpu.memory_space<vmem>>
    %dma_wait3A_193 = tpu.memref_squeeze %dma_wait3A_192 : memref<1x128xi32, #tpu.memory_space<vmem>> -> memref<128xi32, #tpu.memory_space<vmem>>
    %dma_wait3A_194 = arith.constant 0 : i32
    %dma_wait3A_195 = arith.constant 0 : i32
    %dma_wait3A_196 = tpu.memref_slice %arg3[%dma_wait3A_194, %dma_wait3A_195] : memref<100000x128xf32, #tpu.memory_space<hbm>> -> memref<100000x128xf32, #tpu.memory_space<hbm>>
    tpu.wait_indirect_dma semaphore(%arg12 : memref<!tpu.dma_semaphore, #tpu.memory_space<semaphore_mem>>) src(%dma_wait3A_196 : memref<100000x128xf32, #tpu.memory_space<hbm>>) dst(%dma_wait3A_190 : memref<128x128xf32, #tpu.memory_space<vmem>>)
    %mul3A_197 = arith.constant 128 : i32
    %mul3A_198 = arith.muli %add3A, %mul3A_197 : i32
    %add3A_199 = arith.constant 192512 : i32
    %add3A_200 = arith.addi %add3A_199, %mul3A_198 : i32
    %run_scoped3A_201 = arith.constant 5 : i32
    "tpu.region"() ({
      %run_scoped3A_236 = tpu.sem_alloc : memref<!tpu.dma_semaphore, #tpu.memory_space<semaphore_mem>>
      %dma_start3A_237 = arith.constant 0 : i32
      %dma_start3A_238 = arith.constant 0 : i32
      %dma_start3A_239 = tpu.memref_slice %arg6[%run_scoped3A_201, %dma_start3A_237, %dma_start3A_238] : memref<7x128x128xf32, #tpu.memory_space<vmem>> -> memref<1x128x128xf32, #tpu.memory_space<vmem>>
      %dma_start3A_240 = tpu.memref_squeeze %dma_start3A_239 : memref<1x128x128xf32, #tpu.memory_space<vmem>> -> memref<128x128xf32, #tpu.memory_space<vmem>>
      %dma_start3A_241 = arith.constant 0 : i32
      %dma_start3A_242 = tpu.memref_slice %arg4[%add3A_200, %dma_start3A_241] : memref<204800x128xf32, #tpu.memory_space<hbm>> -> memref<128x128xf32, #tpu.memory_space<hbm>>
      %dma_start3A_243 = arith.constant 0 : i32
      %dma_start3A_244 = tpu.memref_slice %arg4[%add3A_200, %dma_start3A_243] : memref<204800x128xf32, #tpu.memory_space<hbm>> -> memref<128x128xf32, #tpu.memory_space<hbm>>
      %dma_start3A_245 = arith.constant 0 : i32
      %dma_start3A_246 = arith.constant 0 : i32
      %dma_start3A_247 = tpu.memref_slice %arg6[%run_scoped3A_201, %dma_start3A_245, %dma_start3A_246] : memref<7x128x128xf32, #tpu.memory_space<vmem>> -> memref<1x128x128xf32, #tpu.memory_space<vmem>>
      %dma_start3A_248 = tpu.memref_squeeze %dma_start3A_247 : memref<1x128x128xf32, #tpu.memory_space<vmem>> -> memref<128x128xf32, #tpu.memory_space<vmem>>
      tpu.enqueue_dma source(%dma_start3A_248 : memref<128x128xf32, #tpu.memory_space<vmem>>) target(%dma_start3A_244 : memref<128x128xf32, #tpu.memory_space<hbm>>) target_semaphore(%run_scoped3A_236 : memref<!tpu.dma_semaphore, #tpu.memory_space<semaphore_mem>>)
      %dma_wait3A_249 = arith.constant 0 : i32
      %dma_wait3A_250 = arith.constant 0 : i32
      %dma_wait3A_251 = tpu.memref_slice %arg6[%run_scoped3A_201, %dma_wait3A_249, %dma_wait3A_250] : memref<7x128x128xf32, #tpu.memory_space<vmem>> -> memref<1x128x128xf32, #tpu.memory_space<vmem>>
      %dma_wait3A_252 = tpu.memref_squeeze %dma_wait3A_251 : memref<1x128x128xf32, #tpu.memory_space<vmem>> -> memref<128x128xf32, #tpu.memory_space<vmem>>
      %dma_wait3A_253 = arith.constant 0 : i32
      %dma_wait3A_254 = tpu.memref_slice %arg4[%add3A_200, %dma_wait3A_253] : memref<204800x128xf32, #tpu.memory_space<hbm>> -> memref<128x128xf32, #tpu.memory_space<hbm>>
      %dma_wait3A_255 = arith.constant 0 : i32
      %dma_wait3A_256 = tpu.memref_slice %arg4[%add3A_200, %dma_wait3A_255] : memref<204800x128xf32, #tpu.memory_space<hbm>> -> memref<128x128xf32, #tpu.memory_space<hbm>>
      %dma_wait3A_257 = arith.constant 0 : i32
      %dma_wait3A_258 = arith.constant 0 : i32
      %dma_wait3A_259 = tpu.memref_slice %arg6[%run_scoped3A_201, %dma_wait3A_257, %dma_wait3A_258] : memref<7x128x128xf32, #tpu.memory_space<vmem>> -> memref<1x128x128xf32, #tpu.memory_space<vmem>>
      %dma_wait3A_260 = tpu.memref_squeeze %dma_wait3A_259 : memref<1x128x128xf32, #tpu.memory_space<vmem>> -> memref<128x128xf32, #tpu.memory_space<vmem>>
      tpu.wait_dma2 semaphore(%run_scoped3A_236 : memref<!tpu.dma_semaphore, #tpu.memory_space<semaphore_mem>>) src(%dma_wait3A_260 : memref<128x128xf32, #tpu.memory_space<vmem>>) dst(%dma_wait3A_256 : memref<128x128xf32, #tpu.memory_space<hbm>>)
      tpu.yield
    }) : () -> ()
    %dma_wait3A_202 = arith.constant 0 : i32
    %dma_wait3A_203 = arith.constant 6 : i32
    %dma_wait3A_204 = arith.constant 0 : i32
    %dma_wait3A_205 = arith.constant 0 : i32
    %dma_wait3A_206 = tpu.memref_slice %arg6[%dma_wait3A_203, %dma_wait3A_204, %dma_wait3A_205] : memref<7x128x128xf32, #tpu.memory_space<vmem>> -> memref<1x128x128xf32, #tpu.memory_space<vmem>>
    %dma_wait3A_207 = tpu.memref_squeeze %dma_wait3A_206 : memref<1x128x128xf32, #tpu.memory_space<vmem>> -> memref<128x128xf32, #tpu.memory_space<vmem>>
    %dma_wait3A_208 = arith.constant 0 : i32
    %dma_wait3A_209 = tpu.memref_slice %arg5[%dma_wait3A_202, %dma_wait3A_208] : memref<50x128xi32, #tpu.memory_space<vmem>> -> memref<1x128xi32, #tpu.memory_space<vmem>>
    %dma_wait3A_210 = tpu.memref_squeeze %dma_wait3A_209 : memref<1x128xi32, #tpu.memory_space<vmem>> -> memref<128xi32, #tpu.memory_space<vmem>>
    %dma_wait3A_211 = arith.constant 0 : i32
    %dma_wait3A_212 = arith.constant 0 : i32
    %dma_wait3A_213 = tpu.memref_slice %arg3[%dma_wait3A_211, %dma_wait3A_212] : memref<100000x128xf32, #tpu.memory_space<hbm>> -> memref<100000x128xf32, #tpu.memory_space<hbm>>
    tpu.wait_indirect_dma semaphore(%arg13 : memref<!tpu.dma_semaphore, #tpu.memory_space<semaphore_mem>>) src(%dma_wait3A_213 : memref<100000x128xf32, #tpu.memory_space<hbm>>) dst(%dma_wait3A_207 : memref<128x128xf32, #tpu.memory_space<vmem>>)
    %mul3A_214 = arith.constant 128 : i32
    %mul3A_215 = arith.muli %add3A, %mul3A_214 : i32
    %add3A_216 = arith.constant 196608 : i32
    %add3A_217 = arith.addi %add3A_216, %mul3A_215 : i32
    %run_scoped3A_218 = arith.constant 6 : i32
    "tpu.region"() ({
      %run_scoped3A_236 = tpu.sem_alloc : memref<!tpu.dma_semaphore, #tpu.memory_space<semaphore_mem>>
      %dma_start3A_237 = arith.constant 0 : i32
      %dma_start3A_238 = arith.constant 0 : i32
      %dma_start3A_239 = tpu.memref_slice %arg6[%run_scoped3A_218, %dma_start3A_237, %dma_start3A_238] : memref<7x128x128xf32, #tpu.memory_space<vmem>> -> memref<1x128x128xf32, #tpu.memory_space<vmem>>
      %dma_start3A_240 = tpu.memref_squeeze %dma_start3A_239 : memref<1x128x128xf32, #tpu.memory_space<vmem>> -> memref<128x128xf32, #tpu.memory_space<vmem>>
      %dma_start3A_241 = arith.constant 0 : i32
      %dma_start3A_242 = tpu.memref_slice %arg4[%add3A_217, %dma_start3A_241] : memref<204800x128xf32, #tpu.memory_space<hbm>> -> memref<128x128xf32, #tpu.memory_space<hbm>>
      %dma_start3A_243 = arith.constant 0 : i32
      %dma_start3A_244 = tpu.memref_slice %arg4[%add3A_217, %dma_start3A_243] : memref<204800x128xf32, #tpu.memory_space<hbm>> -> memref<128x128xf32, #tpu.memory_space<hbm>>
      %dma_start3A_245 = arith.constant 0 : i32
      %dma_start3A_246 = arith.constant 0 : i32
      %dma_start3A_247 = tpu.memref_slice %arg6[%run_scoped3A_218, %dma_start3A_245, %dma_start3A_246] : memref<7x128x128xf32, #tpu.memory_space<vmem>> -> memref<1x128x128xf32, #tpu.memory_space<vmem>>
      %dma_start3A_248 = tpu.memref_squeeze %dma_start3A_247 : memref<1x128x128xf32, #tpu.memory_space<vmem>> -> memref<128x128xf32, #tpu.memory_space<vmem>>
      tpu.enqueue_dma source(%dma_start3A_248 : memref<128x128xf32, #tpu.memory_space<vmem>>) target(%dma_start3A_244 : memref<128x128xf32, #tpu.memory_space<hbm>>) target_semaphore(%run_scoped3A_236 : memref<!tpu.dma_semaphore, #tpu.memory_space<semaphore_mem>>)
      %dma_wait3A_249 = arith.constant 0 : i32
      %dma_wait3A_250 = arith.constant 0 : i32
      %dma_wait3A_251 = tpu.memref_slice %arg6[%run_scoped3A_218, %dma_wait3A_249, %dma_wait3A_250] : memref<7x128x128xf32, #tpu.memory_space<vmem>> -> memref<1x128x128xf32, #tpu.memory_space<vmem>>
      %dma_wait3A_252 = tpu.memref_squeeze %dma_wait3A_251 : memref<1x128x128xf32, #tpu.memory_space<vmem>> -> memref<128x128xf32, #tpu.memory_space<vmem>>
      %dma_wait3A_253 = arith.constant 0 : i32
      %dma_wait3A_254 = tpu.memref_slice %arg4[%add3A_217, %dma_wait3A_253] : memref<204800x128xf32, #tpu.memory_space<hbm>> -> memref<128x128xf32, #tpu.memory_space<hbm>>
      %dma_wait3A_255 = arith.constant 0 : i32
      %dma_wait3A_256 = tpu.memref_slice %arg4[%add3A_217, %dma_wait3A_255] : memref<204800x128xf32, #tpu.memory_space<hbm>> -> memref<128x128xf32, #tpu.memory_space<hbm>>
      %dma_wait3A_257 = arith.constant 0 : i32
      %dma_wait3A_258 = arith.constant 0 : i32
      %dma_wait3A_259 = tpu.memref_slice %arg6[%run_scoped3A_218, %dma_wait3A_257, %dma_wait3A_258] : memref<7x128x128xf32, #tpu.memory_space<vmem>> -> memref<1x128x128xf32, #tpu.memory_space<vmem>>
      %dma_wait3A_260 = tpu.memref_squeeze %dma_wait3A_259 : memref<1x128x128xf32, #tpu.memory_space<vmem>> -> memref<128x128xf32, #tpu.memory_space<vmem>>
      tpu.wait_dma2 semaphore(%run_scoped3A_236 : memref<!tpu.dma_semaphore, #tpu.memory_space<semaphore_mem>>) src(%dma_wait3A_260 : memref<128x128xf32, #tpu.memory_space<vmem>>) dst(%dma_wait3A_256 : memref<128x128xf32, #tpu.memory_space<hbm>>)
      tpu.yield
    }) : () -> ()
    %dma_wait3A_219 = arith.constant 0 : i32
    %dma_wait3A_220 = arith.constant 0 : i32
    %dma_wait3A_221 = arith.constant 0 : i32
    %dma_wait3A_222 = arith.constant 0 : i32
    %dma_wait3A_223 = tpu.memref_slice %arg6[%dma_wait3A_220, %dma_wait3A_221, %dma_wait3A_222] : memref<7x128x128xf32, #tpu.memory_space<vmem>> -> memref<1x128x128xf32, #tpu.memory_space<vmem>>
    %dma_wait3A_224 = tpu.memref_squeeze %dma_wait3A_223 : memref<1x128x128xf32, #tpu.memory_space<vmem>> -> memref<128x128xf32, #tpu.memory_space<vmem>>
    %dma_wait3A_225 = arith.constant 0 : i32
    %dma_wait3A_226 = tpu.memref_slice %arg5[%dma_wait3A_219, %dma_wait3A_225] : memref<50x128xi32, #tpu.memory_space<vmem>> -> memref<1x128xi32, #tpu.memory_space<vmem>>
    %dma_wait3A_227 = tpu.memref_squeeze %dma_wait3A_226 : memref<1x128xi32, #tpu.memory_space<vmem>> -> memref<128xi32, #tpu.memory_space<vmem>>
    %dma_wait3A_228 = arith.constant 0 : i32
    %dma_wait3A_229 = arith.constant 0 : i32
    %dma_wait3A_230 = tpu.memref_slice %arg3[%dma_wait3A_228, %dma_wait3A_229] : memref<100000x128xf32, #tpu.memory_space<hbm>> -> memref<100000x128xf32, #tpu.memory_space<hbm>>
    tpu.wait_indirect_dma semaphore(%arg7 : memref<!tpu.dma_semaphore, #tpu.memory_space<semaphore_mem>>) src(%dma_wait3A_230 : memref<100000x128xf32, #tpu.memory_space<hbm>>) dst(%dma_wait3A_224 : memref<128x128xf32, #tpu.memory_space<vmem>>)
    %mul3A_231 = arith.constant 128 : i32
    %mul3A_232 = arith.muli %add3A, %mul3A_231 : i32
    %add3A_233 = arith.constant 200704 : i32
    %add3A_234 = arith.addi %add3A_233, %mul3A_232 : i32
    %run_scoped3A_235 = arith.constant 0 : i32
    "tpu.region"() ({
      %run_scoped3A_236 = tpu.sem_alloc : memref<!tpu.dma_semaphore, #tpu.memory_space<semaphore_mem>>
      %dma_start3A_237 = arith.constant 0 : i32
      %dma_start3A_238 = arith.constant 0 : i32
      %dma_start3A_239 = tpu.memref_slice %arg6[%run_scoped3A_235, %dma_start3A_237, %dma_start3A_238] : memref<7x128x128xf32, #tpu.memory_space<vmem>> -> memref<1x128x128xf32, #tpu.memory_space<vmem>>
      %dma_start3A_240 = tpu.memref_squeeze %dma_start3A_239 : memref<1x128x128xf32, #tpu.memory_space<vmem>> -> memref<128x128xf32, #tpu.memory_space<vmem>>
      %dma_start3A_241 = arith.constant 0 : i32
      %dma_start3A_242 = tpu.memref_slice %arg4[%add3A_234, %dma_start3A_241] : memref<204800x128xf32, #tpu.memory_space<hbm>> -> memref<128x128xf32, #tpu.memory_space<hbm>>
      %dma_start3A_243 = arith.constant 0 : i32
      %dma_start3A_244 = tpu.memref_slice %arg4[%add3A_234, %dma_start3A_243] : memref<204800x128xf32, #tpu.memory_space<hbm>> -> memref<128x128xf32, #tpu.memory_space<hbm>>
      %dma_start3A_245 = arith.constant 0 : i32
      %dma_start3A_246 = arith.constant 0 : i32
      %dma_start3A_247 = tpu.memref_slice %arg6[%run_scoped3A_235, %dma_start3A_245, %dma_start3A_246] : memref<7x128x128xf32, #tpu.memory_space<vmem>> -> memref<1x128x128xf32, #tpu.memory_space<vmem>>
      %dma_start3A_248 = tpu.memref_squeeze %dma_start3A_247 : memref<1x128x128xf32, #tpu.memory_space<vmem>> -> memref<128x128xf32, #tpu.memory_space<vmem>>
      tpu.enqueue_dma source(%dma_start3A_248 : memref<128x128xf32, #tpu.memory_space<vmem>>) target(%dma_start3A_244 : memref<128x128xf32, #tpu.memory_space<hbm>>) target_semaphore(%run_scoped3A_236 : memref<!tpu.dma_semaphore, #tpu.memory_space<semaphore_mem>>)
      %dma_wait3A_249 = arith.constant 0 : i32
      %dma_wait3A_250 = arith.constant 0 : i32
      %dma_wait3A_251 = tpu.memref_slice %arg6[%run_scoped3A_235, %dma_wait3A_249, %dma_wait3A_250] : memref<7x128x128xf32, #tpu.memory_space<vmem>> -> memref<1x128x128xf32, #tpu.memory_space<vmem>>
      %dma_wait3A_252 = tpu.memref_squeeze %dma_wait3A_251 : memref<1x128x128xf32, #tpu.memory_space<vmem>> -> memref<128x128xf32, #tpu.memory_space<vmem>>
      %dma_wait3A_253 = arith.constant 0 : i32
      %dma_wait3A_254 = tpu.memref_slice %arg4[%add3A_234, %dma_wait3A_253] : memref<204800x128xf32, #tpu.memory_space<hbm>> -> memref<128x128xf32, #tpu.memory_space<hbm>>
      %dma_wait3A_255 = arith.constant 0 : i32
      %dma_wait3A_256 = tpu.memref_slice %arg4[%add3A_234, %dma_wait3A_255] : memref<204800x128xf32, #tpu.memory_space<hbm>> -> memref<128x128xf32, #tpu.memory_space<hbm>>
      %dma_wait3A_257 = arith.constant 0 : i32
      %dma_wait3A_258 = arith.constant 0 : i32
      %dma_wait3A_259 = tpu.memref_slice %arg6[%run_scoped3A_235, %dma_wait3A_257, %dma_wait3A_258] : memref<7x128x128xf32, #tpu.memory_space<vmem>> -> memref<1x128x128xf32, #tpu.memory_space<vmem>>
      %dma_wait3A_260 = tpu.memref_squeeze %dma_wait3A_259 : memref<1x128x128xf32, #tpu.memory_space<vmem>> -> memref<128x128xf32, #tpu.memory_space<vmem>>
      tpu.wait_dma2 semaphore(%run_scoped3A_236 : memref<!tpu.dma_semaphore, #tpu.memory_space<semaphore_mem>>) src(%dma_wait3A_260 : memref<128x128xf32, #tpu.memory_space<vmem>>) dst(%dma_wait3A_256 : memref<128x128xf32, #tpu.memory_space<hbm>>)
      tpu.yield
    }) : () -> ()
    return
  }
}

</mosaic_0001>

<sc_bundles>
// kernel: kernel.3.cloned.1.call-start
scs
__scs_entry_jumppad:
0x0: {  	(pc) =	sbr.rel $0x88, $3  }
0x1: {  	(tag) =	ssettag $0x0;
	lr =	simm.s32 $0x1  }
0x2: {  	[smem:$0x3F9F] =	sst lr;
	_ =	strace $0xD0000000  }
0x3: {  	_ = 	snop  }
0x4: {  	_ = 	snop  }
0x5: {  	_ = 	snop  }
0x6: {  	_ = 	snop  }
0x7: {  	_ = 	snop  }
__scs_overlays_trampoline_lowered:
0x8: {  	[smem:$0x3FAE] =	sst s0  }
0x9: {  	[smem:$0x3FAF] =	sst s1  }
0xa: {  	[smem:$0x3FB0] =	sst s2  }
0xb: {  	[smem:$0x3FB1] =	sst s3  }
0xc: {  	[smem:$0x3FB2] =	sst s4  }
0xd: {  	[smem:$0x3FB3] =	sst s5  }
0xe: {  	[smem:$0x3FB4] =	sst s6  }
0xf: {  	[smem:$0x3FB5] =	sst s7  }
0x10: {  	[smem:$0x3FB6] =	sst s8  }
0x11: {  	[smem:$0x3FB7] =	sst s9;
	s0 =	simm.s32 @!p0 $0x0  }
0x12: {  	s1 =	sld [smem:$0x3F9D];
	s0 =	simm.s32 @p0 $0x1  }
0x13: {  	[smem:$0x3FB8] =	sst s0;
	s0 =	simm.s32 @!p1 $0x0  }
0x14: {  	s2 =	sld [smem:$0x3F9C];
	s0 =	simm.s32 @p1 $0x1  }
0x15: {  	[smem:$0x3FB9] =	sst s0;
	s0 =	simm.s32 @!p2 $0x0  }
0x16: {  	s3 =	sld [smem:$0x3FDB];
	s0 =	simm.s32 @p2 $0x1  }
0x17: {  	s4 =	simm.s32 $0x1BF5;
	[smem:$0x3FBB] =	sst s0  }
0x18: {  	s0 =	sld [smem:$0x3F9E];
	_ =	swait.ge [sflag:s4], $0x0  }
0x19: {  	s7 =	sld [smem:$0x3F9F]  }
0x1a: {  	s8 =	sadd.s32 $0xFFFFE003, lr  }
0x1b: {  	s9 =	sadd.s32 $0xFFFFFEF7, lr;
	s5 =	simm.s32 $0xFFFFFFFF;
	p2 =	slt.u32 s8, $0xFFFFF086  }
0x1c: {  	p1 =	slt.u32 s9, $0xF7A;
	s5 =	simm.s32 @!p2 $0x0  }
0x1d: {  	s5 =	simm.s32 @p1 $0x1;
	p0 =	seq.s32 s7, s2  }
0x1e: {  	s7 =	smul.u32 @!p0 $0xF7A, s2;
	p2 =	seq.s32 @!p0 s5, $0x0  }
0x1f: {  	s9 =	smul.u32 $0xF7A, s1;
	s8 =	simm.s32 @!p0 $0x1BF5;
	p2 =	por !p2, p0  }
0x20: {  	[sflag:s8] =	ssyncset.s32 @!p0 $0xFFFFF086;
	s6 =	sadd.s32 @!p0 s3, s7;
	s7 =	simm.s32 @!p0 $0x108  }
0x21: {  	s3 =	sadd.s32 s3, s9;
	s6 =	sadd.s32 @!p0 $0x88, s6;
	s7 =	simm.s32 @p2 $0x1082  }
0x22: {  	[simem:s7], [sflag:s8] =	dma.local @!p0 [hbm:s6], $0xF7A  }
0x23: {  	s9 =	sor.u32 $0xD0000000, s2;
	s6 =	simm.s32 $0x108;
	_ =	swait.ge @!p0 [sflag:s8], $0x0  }
0x24: {  	s3 =	sadd.s32 $0x88, s3;
	s6 =	simm.s32 @!p1 $0x1082;
	[sflag:s4] =	ssyncset.s32 $0xFFFFF086  }
0x25: {  	[simem:s6], [sflag:s4] =	dma.local [hbm:s3], $0xF7A  }
0x26: {  	[smem:$0x3F9F] =	sst s1;
	(tag) =	ssettag s2;
	_ =	strace s9  }
0x27: {  	s1 =	sld [smem:$0x3FAF]  }
0x28: {  	s2 =	sld [smem:$0x3FB0]  }
0x29: {  	s4 =	sld [smem:$0x3FB2]  }
0x2a: {  	p0 =	seq.s32 s5, $0x0;
	s5 =	sld [smem:$0x3FB3]  }
0x2b: {  	s6 =	sld [smem:$0x3FB4]  }
0x2c: {  	s7 =	sld [smem:$0x3FB5]  }
0x2d: {  	s3 =	simm.s32 $0x108;
	s8 =	sld [smem:$0x3FB6]  }
0x2e: {  	s3 =	simm.s32 @!p0 $0x1082;
	s9 =	sld [smem:$0x3FB7]  }
0x2f: {  	lr =	sadd.s32 s0, s3;
	s0 =	sld [smem:$0x3FAE]  }
0x30: {  	s3 =	sld [smem:$0x3FB1]  }
0x31: {  	[smem:$0x3FBA] =	sst s10  }
0x32: {  	s10 =	sld [smem:$0x3FB8];
	_ =	sdelay $0x3  }
0x33: {  	p0 =	seq.s32 s10, $0x1;
	s10 =	sld [smem:$0x3FBA];
	_ =	sdelay $0x3  }
0x34: {  	[smem:$0x3FBA] =	sst s10  }
0x35: {  	s10 =	sld [smem:$0x3FB9];
	_ =	sdelay $0x3  }
0x36: {  	p1 =	seq.s32 s10, $0x1;
	s10 =	sld [smem:$0x3FBA];
	_ =	sdelay $0x3  }
0x37: {  	[smem:$0x3FBA] =	sst s10  }
0x38: {  	s10 =	sld [smem:$0x3FBB]  }
0x39: {  	_ = 	snop;
	(pc) =	sbr.ind lr, $3  }
0x3a: {  	_ = 	snop  }
0x3b: {  	_ = 	snop  }
0x3c: {  	p2 =	seq.s32 s10, $0x1;
	s10 =	sld [smem:$0x3FBA]  }
0x3d: {  	_ =	shalt  }
0x3e: {  	_ =	shalt  }
0x3f: {  	_ =	shalt  }
0x40: {  	_ =	shalt  }
0x41: {  	_ =	shalt  }
0x42: {  	_ =	shalt  }
0x43: {  	_ =	shalt  }
0x44: {  	_ =	shalt  }
0x45: {  	_ =	shalt  }
0x46: {  	_ =	shalt  }
0x47: {  	_ =	shalt  }
0x48: {  	_ =	shalt  }
0x49: {  	_ =	shalt  }
0x4a: {  	_ =	shalt  }
0x4b: {  	_ =	shalt  }
0x4c: {  	_ =	shalt  }
0x4d: {  	_ =	shalt  }
0x4e: {  	_ =	shalt  }
0x4f: {  	_ =	shalt  }
0x50: {  	_ =	shalt  }
0x51: {  	_ =	shalt  }
0x52: {  	_ =	shalt  }
0x53: {  	_ =	shalt  }
0x54: {  	_ =	shalt  }
0x55: {  	_ =	shalt  }
0x56: {  	_ =	shalt  }
0x57: {  	_ =	shalt  }
0x58: {  	_ =	shalt  }
0x59: {  	_ =	shalt  }
0x5a: {  	_ =	shalt  }
0x5b: {  	_ =	shalt  }
0x5c: {  	_ =	shalt  }
0x5d: {  	_ =	shalt  }
0x5e: {  	_ =	shalt  }
0x5f: {  	_ =	shalt  }
0x60: {  	_ =	shalt  }
0x61: {  	_ =	shalt  }
0x62: {  	_ =	shalt  }
0x63: {  	_ =	shalt  }
0x64: {  	_ =	shalt  }
0x65: {  	_ =	shalt  }
0x66: {  	_ =	shalt  }
0x67: {  	_ =	shalt  }
0x68: {  	_ =	shalt  }
0x69: {  	_ =	shalt  }
0x6a: {  	_ =	shalt  }
0x6b: {  	_ =	shalt  }
0x6c: {  	_ =	shalt  }
0x6d: {  	_ =	shalt  }
0x6e: {  	_ =	shalt  }
0x6f: {  	_ =	shalt  }
0x70: {  	_ =	shalt  }
0x71: {  	_ =	shalt  }
0x72: {  	_ =	shalt  }
0x73: {  	_ =	shalt  }
0x74: {  	_ =	shalt  }
0x75: {  	_ =	shalt  }
0x76: {  	_ =	shalt  }
0x77: {  	_ =	shalt  }
0x78: {  	_ =	shalt  }
0x79: {  	_ =	shalt  }
0x7a: {  	_ =	shalt  }
0x7b: {  	_ =	shalt  }
0x7c: {  	_ =	shalt  }
0x7d: {  	_ =	shalt  }
0x7e: {  	_ =	shalt  }
0x7f: {  	_ =	shalt  }
0x80: {  	_ =	shalt  }
0x81: {  	_ =	shalt  }
0x82: {  	_ =	shalt  }
0x83: {  	_ =	shalt  }
0x84: {  	_ =	shalt  }
0x85: {  	_ =	shalt  }
0x86: {  	_ =	shalt  }
0x87: {  	_ =	shalt  }
.Lfunc_end0:
.L_simem_size_0:
called_computation_lowered:
.L_overlay_start_0:
0x88: {  	s2 =	sld [smem:$0x3FD9]  }
0x89: {  	s3 =	sld [smem:$0x3FFE];
	_ =	sdelay $0x1  }
0x8a: {  	s1 =	srdreg.scid  }
0x8b: {  	s0 =	sand.u32 $0x1, s1  }
0x8c: {  	s18 =	sshll.u32 s0, $0xA;
	s2 =	sadd.s32 s3, s2  }
0x8d: {  	s2 =	sadd.s32 s2, s18  }
0x8e: {  	[smem:$0x3FC6] =	sst s2  }
0x8f: {  	_ = 	snop  }
0x90: {  	s2 =	sld [smem:$0x3FC9]  }
0x91: {  	s19 =	sld [smem:$0x3FC8]  }
0x92: {  	s4 =	sld [smem:$0x3FD0];
	(tm) =	ssettm $0x1  }
0x93: {  	s5 =	sld [smem:$0x3FFB];
	_ =	sdelay $0x3  }
0x94: {  	_ =	strace s5  }
0x95: {  	s5 =	sld [smem:$0x3FFC];
	_ =	sdelay $0x3  }
0x96: {  	_ =	strace s5  }
0x97: {  	s5 =	sld [smem:$0x3FFD];
	_ =	sdelay $0x3  }
0x98: {  	_ =	strace s5  }
0x99: {  	_ =	strace $0x8FFFFFFF  }
0x9a: {  	s20 =	sld [smem:$0x3FDB];
	_ =	sdelay $0x1  }
0x9b: {  	s6 =	simm.s32 $_scs_section_size  }
0x9c: {  	s7 =	simm.s32 $_size__tile_overlayer_lowered;
	s8 =	simm.s32 $_tile_overlayer_lowered  }
0x9d: {  	s23 =	simm.s32 $0x1BFF;
	s22 =	sshll.u32 s8, $0x1;
	s5 =	sadd.s32 s6, s20  }
0x9e: {  	s9 =	simm.s32 $0x0;
	s21 =	sshll.u32 s7, $0x1;
	s7 =	sadd.s32 s22, s5  }
0x9f: {  	[timem:s9], [sflag:s23] =	dma.local [hbm:s7], s21  }
0xa0: {  	_ =	swait.ge [sflag:s23], s21  }
0xa1: {  	s6 =	ssub.s32 $0x0, s21;
	[sflag:s23] =	ssyncset.done $0x0  }
0xa2: {  	[sflag:s23] =	ssyncadd.s32 s6;
	_ =	sdelay $0x1  }
0xa3: {  	s24 =	simm.s32 $0x1B8B  }
0xa4: {  	_ =	swait.ge [sflag:s24], $0x1  }
0xa5: {  	[sflag:s24] =	ssyncset.done $0x0  }
0xa6: {  	s25 =	simm.s32 $0x1B8E;
	[sflag:s24] =	ssyncadd.s32 $0xFFFFFFFF  }
0xa7: {  	s26 =	simm.s32 $execute0_lowered;
	[smem:$0x3FD2] =	sst s25  }
0xa8: {  	s6 =	sshll.u32 s26, $0x1;
	_ =	strace $0x80000046;
	[dreg:$0x1] =	wrdreg $0xFFFFFFFF  }
0xa9: {  	s28 =	simm.s32 $_size_execute0_lowered;
	s5 =	sadd.s32 s5, s6;
	[dreg:$0x0] =	wrdreg $0x0  }
0xaa: {  	s6 =	sshll.u32 s28, $0x1;
	[dreg:$0x2] =	wrdreg s5  }
0xab: {  	[dreg:$0x3] =	wrdreg s6  }
0xac: {  	[dreg:$0x4] =	wrdreg $0xC0  }
0xad: {  	_ =	task [dreg:s9], $0x5FFFF  }
0xae: {  	[dreg:$0x1] =	wrdreg $0xFFFFFFFF  }
0xaf: {  	[dreg:$0x0] =	wrdreg $0x60  }
0xb0: {  	[dreg:$0x2] =	wrdreg s2  }
0xb1: {  	[dreg:$0x3] =	wrdreg s19  }
0xb2: {  	[dreg:$0x4] =	wrdreg s4  }
0xb3: {  	[dreg:$0x5] =	wrdreg $0x9  }
0xb4: {  	_ =	task.clear_ibuf [dreg:s9], $0x6FFFF;
	_ =	strace $0x90000046  }
0xb5: {  	s29 =	simm.s32 $0x9;
	_ =	strace $0x80000048  }
0xb6: {  	_ =	swait.ge [sflag:s29], $0x1  }
0xb7: {  	[sflag:s29] =	ssyncadd.s32 $0xFFFFFFFF  }
0xb8: {  	_ =	strace $0x90000048  }
0xb9: {  	_ =	sfence  }
0xba: {  	s30 =	sld [smem:$0x0];
	_ =	sdelay $0x2  }
0xbb: {  	s31 =	sshll.u32 s1, $0xD;
	s1 =	sshrl.u32 s1, $0x2  }
0xbc: {  	s3 =	sand.u32 $0x4000, s31;
	s1 =	sadd.s32 s1, s30  }
0xbd: {  	s0 =	sor.u32 s3, s0;
	s1 =	sshll.u32 s1, $0x11  }
0xbe: {  	s0 =	sor.u32 s1, s0  }
0xbf: {  	s0 =	sadd.s32 $0x8F2B, s0  }
0xc0: {  	[sflag:s0] =	ssyncadd.remote.s32 $0x1  }
0xc1: {  	_ =	sfence.sel $0xFFFF  }
0xc2: {  	[dreg:$0x0] =	wrdreg $0xFFFFFFFF;
	(pc) =	sbr.abs _section_cstart, $3  }
0xc3: {  	[dreg:$0x1] =	wrdreg $0xFFFFFFFF  }
0xc4: {  	_ =	task.clear_ibuf [dreg:s9], $0x2FFFF;
	_ =	strace $0x9FFFFFFF  }
0xc5: {  	(tm) =	ssettm $0x7FFFFFFF  }
tec
execute0_lowered:
.L_overlay_start_1:
0x0: {  	(tag) =	ssettag $0x1  }
0x1: {  	s0 =	rddreg [dreg:$0x0]  }
0x2: {  	s1 =	rddreg [dreg:$0x1]  }
0x3: {  	s2 =	rddreg [dreg:$0x2];
	s4 =	srdreg.scid;
	s3 =	simm.s32 $0x0  }
0x4: {  	s14 =	stileid.u32;
	s29 =	simm.s32 $0x11C00;
	s31 =	simm.s32 $0x15C00  }
0x5: {  	s16 =	simm.s32 $0x1;
	s17 =	simm.s32 $0x2;
	s28 =	simm.s32 $0x6  }
0x6: {  	s30 =	simm.s32 $0x7;
	s5 =	sand.u32 $0x1, s4;
	[smem:$0x7FF] =	sst s3  }
0x7: {  	s18 =	sshll.u32 s14, $0x8;
	s25 =	sshll.u32 s14, $0xC;
	s6 =	sshll.u32 s5, $0x7  }
0x8: {  	_ =	strace $0x80000047;
	s7 =	ssub.s32 $0x2, s5;
	s26 =	sshll.u32 s5, $0xB  }
0x9: {  	s6 =	sor.u32 s6, s18;
	s8 =	sshrl.u32 s7, $0x1;
	s18 =	simm.s32 $0x3  }
0xa: {  	s4 =	sadd.s32 s0, s6;
	s19 =	sshll.u32 s6, $0x4;
	s20 =	ssub.s32 s7, s8  }
0xb: {  	s21 =	sadd.s32 $0x6000, s4;
	s0 =	sadd.s32 s19, s2;
	s14 =	smax.u32 s20, $0x1  }
0xc: {  	s19 =	simm.s32 $0x8;
	s20 =	simm.s32 $0x80;
	[dreg:$0x4] =	wrdreg s21  }
0xd: {  	s22 =	sadd.s32 $0x2A0000, s0;
	s23 =	sadd.s32 $0x2B0000, s0;
	s24 =	sadd.s32 $0x2C0000, s0  }
0xe: {  	s9 =	sadd.s32 $0x2D0000, s0;
	s10 =	sadd.s32 $0x2E0000, s0;
	s11 =	sadd.s32 $0x2F0000, s0  }
0xf: {  	s12 =	sadd.s32 $0x300000, s0;
	s13 =	sadd.s32 $0x310000, s0;
	[dreg:$0x5] =	wrdreg s22  }
0x10: {  	s0 =	sadd.s32 s25, s2;
	s21 =	simm.s32 $0x1C00;
	[dreg:$0x6] =	wrdreg s23  }
0x11: {  	s2 =	simm.s32 $0x19C00;
	s25 =	simm.s32 $0x5;
	[dreg:$0x7] =	wrdreg s24  }
0x12: {  	s15 =	sadd.s32 s26, s0;
	s22 =	simm.s32 $0x5C00;
	s24 =	simm.s32 $0x9C00  }
0x13: {  	s26 =	simm.s32 $0xDC00;
	s23 =	simm.s32 $0x4;
	s0 =	simm.s32 $0x0  }
.LBB2_1:
0x14: {  	s5 =	simm.s32 $0x400;
	s6 =	simm.s32 $0x8000  }
0x15: {  	[tilespmem:s3], [sflag:$0x8] =	stream.strided.gather [hbm4b:s4+s5], $0x1800, s6, s5, $0x38;
	[tilespmem:$0x1DC00] =	vst v63  }
0x16: {  	s7 =	rddreg [dreg:$0x4];
	s8 =	simm.s32 $0x1800  }
0x17: {  	[tilespmem:s8], [sflag:$0x8] =	stream.linear.gather [hbm4b:s7+s3], $0x100, $0x38;
	[tilespmem:$0x1DC00] =	vst v63  }
0x18: {  	_ =	swait.ge [sflag:s19], $0x1900  }
0x19: {  	[sflag:s19] =	ssyncset.done $0x0  }
0x1a: {  	[sflag:s19] =	ssyncadd.s32 $0xFFFFE700  }
0x1b: {  	[tilespmem:s21], [sflag:$0x1] =	stream.indirect.gather [hbm4b:s1+s20], $0x80, s3, s20, $0xb8;
	[tilespmem:$0x1DC00] =	vst v63  }
0x1c: {  	_ = 	snop  }
0x1d: {  	[tilespmem:s22], [sflag:$0x2] =	stream.indirect.gather [hbm4b:s1+s20], $0x80, s20, s20, $0xb8;
	[tilespmem:$0x1DC00] =	vst v63  }
0x1e: {  	s7 =	simm.s32 $0x100  }
0x1f: {  	[tilespmem:s24], [sflag:$0x3] =	stream.indirect.gather [hbm4b:s1+s20], $0x80, s7, s20, $0xb8;
	[tilespmem:$0x1DC00] =	vst v63  }
0x20: {  	s8 =	simm.s32 $0x180  }
0x21: {  	[tilespmem:s26], [sflag:$0x4] =	stream.indirect.gather [hbm4b:s1+s20], $0x80, s8, s20, $0xb8;
	[tilespmem:$0x1DC00] =	vst v63  }
0x22: {  	s6 =	simm.s32 $0x200  }
0x23: {  	[tilespmem:s29], [sflag:$0x5] =	stream.indirect.gather [hbm4b:s1+s20], $0x80, s6, s20, $0xb8;
	[tilespmem:$0x1DC00] =	vst v63  }
0x24: {  	s7 =	simm.s32 $0x280  }
0x25: {  	[tilespmem:s31], [sflag:$0x6] =	stream.indirect.gather [hbm4b:s1+s20], $0x80, s7, s20, $0xb8;
	[tilespmem:$0x1DC00] =	vst v63  }
0x26: {  	s8 =	simm.s32 $0x300  }
0x27: {  	[tilespmem:s2], [sflag:$0x7] =	stream.indirect.gather [hbm4b:s1+s20], $0x80, s8, s20, $0xb8;
	[tilespmem:$0x1DC00] =	vst v63  }
0x28: {  	_ =	swait.ge [sflag:s16], $0x4000  }
0x29: {  	[sflag:s16] =	ssyncset.done $0x0  }
0x2a: {  	[sflag:s16] =	ssyncadd.s32 $0xFFFFC000  }
0x2b: {  	[hbm4b:s15+s3] =	stream.linear.scatter [tilespmem:s21], [sflag:$0x8], $0x4000, $0x38;
	[tilespmem:$0x1DC00] =	vst v63  }
0x2c: {  	_ =	swait.ge [sflag:s19], $0x4000  }
0x2d: {  	[sflag:s19] =	ssyncset.done $0x0  }
0x2e: {  	s6 =	simm.s32 $0x380;
	[sflag:s19] =	ssyncadd.s32 $0xFFFFC000  }
0x2f: {  	[tilespmem:s21], [sflag:$0x1] =	stream.indirect.gather [hbm4b:s1+s20], $0x80, s6, s20, $0xb8;
	[tilespmem:$0x1DC00] =	vst v63  }
0x30: {  	_ =	swait.ge [sflag:s17], $0x4000  }
0x31: {  	[sflag:s17] =	ssyncset.done $0x0  }
0x32: {  	s7 =	sadd.s32 $0x10000, s15;
	[sflag:s17] =	ssyncadd.s32 $0xFFFFC000  }
0x33: {  	[hbm4b:s7+s3] =	stream.linear.scatter [tilespmem:s22], [sflag:$0x8], $0x4000, $0x38;
	[tilespmem:$0x1DC00] =	vst v63  }
0x34: {  	_ =	swait.ge [sflag:s19], $0x4000  }
0x35: {  	[sflag:s19] =	ssyncset.done $0x0  }
0x36: {  	s8 =	simm.s32 $0x400;
	[sflag:s19] =	ssyncadd.s32 $0xFFFFC000  }
0x37: {  	[tilespmem:s22], [sflag:$0x2] =	stream.indirect.gather [hbm4b:s1+s20], $0x80, s8, s20, $0xb8;
	[tilespmem:$0x1DC00] =	vst v63  }
0x38: {  	_ =	swait.ge [sflag:s18], $0x4000  }
0x39: {  	[sflag:s18] =	ssyncset.done $0x0  }
0x3a: {  	s6 =	sadd.s32 $0x20000, s15;
	[sflag:s18] =	ssyncadd.s32 $0xFFFFC000  }
0x3b: {  	[hbm4b:s6+s3] =	stream.linear.scatter [tilespmem:s24], [sflag:$0x8], $0x4000, $0x38;
	[tilespmem:$0x1DC00] =	vst v63  }
0x3c: {  	_ =	swait.ge [sflag:s19], $0x4000  }
0x3d: {  	[sflag:s19] =	ssyncset.done $0x0  }
0x3e: {  	s7 =	simm.s32 $0x480;
	[sflag:s19] =	ssyncadd.s32 $0xFFFFC000  }
0x3f: {  	[tilespmem:s24], [sflag:$0x3] =	stream.indirect.gather [hbm4b:s1+s20], $0x80, s7, s20, $0xb8;
	[tilespmem:$0x1DC00] =	vst v63  }
0x40: {  	_ =	swait.ge [sflag:s23], $0x4000  }
0x41: {  	[sflag:s23] =	ssyncset.done $0x0  }
0x42: {  	s8 =	sadd.s32 $0x30000, s15;
	[sflag:s23] =	ssyncadd.s32 $0xFFFFC000  }
0x43: {  	[hbm4b:s8+s3] =	stream.linear.scatter [tilespmem:s26], [sflag:$0x8], $0x4000, $0x38;
	[tilespmem:$0x1DC00] =	vst v63  }
0x44: {  	_ =	swait.ge [sflag:s19], $0x4000  }
0x45: {  	[sflag:s19] =	ssyncset.done $0x0  }
0x46: {  	s6 =	simm.s32 $0x500;
	[sflag:s19] =	ssyncadd.s32 $0xFFFFC000  }
0x47: {  	[tilespmem:s26], [sflag:$0x4] =	stream.indirect.gather [hbm4b:s1+s20], $0x80, s6, s20, $0xb8;
	[tilespmem:$0x1DC00] =	vst v63  }
0x48: {  	_ =	swait.ge [sflag:s25], $0x4000  }
0x49: {  	[sflag:s25] =	ssyncset.done $0x0  }
0x4a: {  	s7 =	sadd.s32 $0x40000, s15;
	[sflag:s25] =	ssyncadd.s32 $0xFFFFC000  }
0x4b: {  	[hbm4b:s7+s3] =	stream.linear.scatter [tilespmem:s29], [sflag:$0x8], $0x4000, $0x38;
	[tilespmem:$0x1DC00] =	vst v63  }
0x4c: {  	_ =	swait.ge [sflag:s19], $0x4000  }
0x4d: {  	[sflag:s19] =	ssyncset.done $0x0  }
0x4e: {  	s8 =	simm.s32 $0x580;
	[sflag:s19] =	ssyncadd.s32 $0xFFFFC000  }
0x4f: {  	[tilespmem:s29], [sflag:$0x5] =	stream.indirect.gather [hbm4b:s1+s20], $0x80, s8, s20, $0xb8;
	[tilespmem:$0x1DC00] =	vst v63  }
0x50: {  	_ =	swait.ge [sflag:s28], $0x4000  }
0x51: {  	[sflag:s28] =	ssyncset.done $0x0  }
0x52: {  	s6 =	sadd.s32 $0x50000, s15;
	[sflag:s28] =	ssyncadd.s32 $0xFFFFC000  }
0x53: {  	[hbm4b:s6+s3] =	stream.linear.scatter [tilespmem:s31], [sflag:$0x8], $0x4000, $0x38;
	[tilespmem:$0x1DC00] =	vst v63  }
0x54: {  	_ =	swait.ge [sflag:s19], $0x4000  }
0x55: {  	[sflag:s19] =	ssyncset.done $0x0  }
0x56: {  	s7 =	simm.s32 $0x600;
	[sflag:s19] =	ssyncadd.s32 $0xFFFFC000  }
0x57: {  	[tilespmem:s31], [sflag:$0x6] =	stream.indirect.gather [hbm4b:s1+s20], $0x80, s7, s20, $0xb8;
	[tilespmem:$0x1DC00] =	vst v63  }
0x58: {  	_ =	swait.ge [sflag:s30], $0x4000  }
0x59: {  	[sflag:s30] =	ssyncset.done $0x0  }
0x5a: {  	s8 =	sadd.s32 $0x60000, s15;
	[sflag:s30] =	ssyncadd.s32 $0xFFFFC000  }
0x5b: {  	[hbm4b:s8+s3] =	stream.linear.scatter [tilespmem:s2], [sflag:$0x8], $0x4000, $0x38;
	[tilespmem:$0x1DC00] =	vst v63  }
0x5c: {  	_ =	swait.ge [sflag:s19], $0x4000  }
0x5d: {  	s5 =	simm.s32 $0xE00;
	[sflag:s19] =	ssyncset.done $0x0  }
0x5e: {  	s6 =	sadd.s32 $0x70000, s15;
	s7 =	simm.s32 $0x680;
	[sflag:s19] =	ssyncadd.s32 $0xFFFFC000  }
.LBB2_2:
0x5f: {  	[tilespmem:s2], [sflag:$0x7] =	stream.indirect.gather [hbm4b:s1+s20], $0x80, s7, s20, $0xb8;
	[tilespmem:$0x1DC00] =	vst v63  }
0x60: {  	s7 =	smov.u32 s5  }
0x61: {  	p0 =	sne.s32 s5, $0x4600;
	s5 =	sadd.s32 $0xE00, s5;
	_ =	swait.ge [sflag:s16], $0x4000  }
0x62: {  	[sflag:s16] =	ssyncset.done $0x0  }
0x63: {  	[sflag:s16] =	ssyncadd.s32 $0xFFFFC000  }
0x64: {  	[hbm4b:s6+s3] =	stream.linear.scatter [tilespmem:s21], [sflag:$0x8], $0x4000, $0x38;
	[tilespmem:$0x1DC00] =	vst v63  }
0x65: {  	_ =	swait.ge [sflag:s19], $0x4000  }
0x66: {  	s7 =	sshra.s32 s7, $0x2;
	[sflag:s19] =	ssyncset.done $0x0  }
0x67: {  	s8 =	sadd.s32 $0x380, s7;
	[sflag:s19] =	ssyncadd.s32 $0xFFFFC000  }
0x68: {  	[tilespmem:s21], [sflag:$0x1] =	stream.indirect.gather [hbm4b:s1+s20], $0x80, s8, s20, $0xb8;
	[tilespmem:$0x1DC00] =	vst v63  }
0x69: {  	_ =	swait.ge [sflag:s17], $0x4000  }
0x6a: {  	[sflag:s17] =	ssyncset.done $0x0  }
0x6b: {  	s8 =	sadd.s32 $0x10000, s6;
	[sflag:s17] =	ssyncadd.s32 $0xFFFFC000  }
0x6c: {  	[hbm4b:s8+s3] =	stream.linear.scatter [tilespmem:s22], [sflag:$0x8], $0x4000, $0x38;
	[tilespmem:$0x1DC00] =	vst v63  }
0x6d: {  	_ =	swait.ge [sflag:s19], $0x4000  }
0x6e: {  	[sflag:s19] =	ssyncset.done $0x0  }
0x6f: {  	s8 =	sadd.s32 $0x400, s7;
	[sflag:s19] =	ssyncadd.s32 $0xFFFFC000  }
0x70: {  	[tilespmem:s22], [sflag:$0x2] =	stream.indirect.gather [hbm4b:s1+s20], $0x80, s8, s20, $0xb8;
	[tilespmem:$0x1DC00] =	vst v63  }
0x71: {  	_ =	swait.ge [sflag:s18], $0x4000  }
0x72: {  	[sflag:s18] =	ssyncset.done $0x0  }
0x73: {  	s8 =	sadd.s32 $0x20000, s6;
	[sflag:s18] =	ssyncadd.s32 $0xFFFFC000  }
0x74: {  	[hbm4b:s8+s3] =	stream.linear.scatter [tilespmem:s24], [sflag:$0x8], $0x4000, $0x38;
	[tilespmem:$0x1DC00] =	vst v63  }
0x75: {  	_ =	swait.ge [sflag:s19], $0x4000  }
0x76: {  	[sflag:s19] =	ssyncset.done $0x0  }
0x77: {  	s8 =	sadd.s32 $0x480, s7;
	[sflag:s19] =	ssyncadd.s32 $0xFFFFC000  }
0x78: {  	[tilespmem:s24], [sflag:$0x3] =	stream.indirect.gather [hbm4b:s1+s20], $0x80, s8, s20, $0xb8;
	[tilespmem:$0x1DC00] =	vst v63  }
0x79: {  	_ =	swait.ge [sflag:s23], $0x4000  }
0x7a: {  	[sflag:s23] =	ssyncset.done $0x0  }
0x7b: {  	s8 =	sadd.s32 $0x30000, s6;
	[sflag:s23] =	ssyncadd.s32 $0xFFFFC000  }
0x7c: {  	[hbm4b:s8+s3] =	stream.linear.scatter [tilespmem:s26], [sflag:$0x8], $0x4000, $0x38;
	[tilespmem:$0x1DC00] =	vst v63  }
0x7d: {  	_ =	swait.ge [sflag:s19], $0x4000  }
0x7e: {  	[sflag:s19] =	ssyncset.done $0x0  }
0x7f: {  	s8 =	sadd.s32 $0x500, s7;
	[sflag:s19] =	ssyncadd.s32 $0xFFFFC000  }
0x80: {  	[tilespmem:s26], [sflag:$0x4] =	stream.indirect.gather [hbm4b:s1+s20], $0x80, s8, s20, $0xb8;
	[tilespmem:$0x1DC00] =	vst v63  }
0x81: {  	_ =	swait.ge [sflag:s25], $0x4000  }
0x82: {  	[sflag:s25] =	ssyncset.done $0x0  }
0x83: {  	s8 =	sadd.s32 $0x40000, s6;
	[sflag:s25] =	ssyncadd.s32 $0xFFFFC000  }
0x84: {  	[hbm4b:s8+s3] =	stream.linear.scatter [tilespmem:s29], [sflag:$0x8], $0x4000, $0x38;
	[tilespmem:$0x1DC00] =	vst v63  }
0x85: {  	_ =	swait.ge [sflag:s19], $0x4000  }
0x86: {  	[sflag:s19] =	ssyncset.done $0x0  }
0x87: {  	s8 =	sadd.s32 $0x580, s7;
	[sflag:s19] =	ssyncadd.s32 $0xFFFFC000  }
0x88: {  	[tilespmem:s29], [sflag:$0x5] =	stream.indirect.gather [hbm4b:s1+s20], $0x80, s8, s20, $0xb8;
	[tilespmem:$0x1DC00] =	vst v63  }
0x89: {  	_ =	swait.ge [sflag:s28], $0x4000  }
0x8a: {  	[sflag:s28] =	ssyncset.done $0x0  }
0x8b: {  	s8 =	sadd.s32 $0x50000, s6;
	[sflag:s28] =	ssyncadd.s32 $0xFFFFC000  }
0x8c: {  	[hbm4b:s8+s3] =	stream.linear.scatter [tilespmem:s31], [sflag:$0x8], $0x4000, $0x38;
	[tilespmem:$0x1DC00] =	vst v63  }
0x8d: {  	_ =	swait.ge [sflag:s19], $0x4000  }
0x8e: {  	[sflag:s19] =	ssyncset.done $0x0  }
0x8f: {  	s8 =	sadd.s32 $0x600, s7;
	[sflag:s19] =	ssyncadd.s32 $0xFFFFC000  }
0x90: {  	[tilespmem:s31], [sflag:$0x6] =	stream.indirect.gather [hbm4b:s1+s20], $0x80, s8, s20, $0xb8;
	[tilespmem:$0x1DC00] =	vst v63  }
0x91: {  	_ =	swait.ge [sflag:s30], $0x4000  }
0x92: {  	[sflag:s30] =	ssyncset.done $0x0  }
.Ltmp0:
0x93: {  	s8 =	sadd.s32 $0x60000, s6;
	[sflag:s30] =	ssyncadd.s32 $0xFFFFC000;
	(pc) =	sbr.rel @p0 .LBB2_2-.Ltmp0, $4  }
0x94: {  	[hbm4b:s8+s3] =	stream.linear.scatter [tilespmem:s2], [sflag:$0x8], $0x4000, $0x38;
	[tilespmem:$0x1DC00] =	vst v63  }
0x95: {  	_ =	swait.ge [sflag:s19], $0x4000  }
0x96: {  	[sflag:s19] =	ssyncset.done $0x0  }
0x97: {  	s7 =	sadd.s32 $0x680, s7;
	s6 =	sadd.s32 $0x70000, s6;
	[sflag:s19] =	ssyncadd.s32 $0xFFFFC000  }
0x98: {  	[tilespmem:s2], [sflag:$0x7] =	stream.indirect.gather [hbm4b:s1+s20], $0x80, s7, s20, $0xb8;
	[tilespmem:$0x1DC00] =	vst v63  }
0x99: {  	_ =	swait.ge [sflag:s16], $0x4000  }
0x9a: {  	[sflag:s16] =	ssyncset.done $0x0  }
0x9b: {  	s5 =	rddreg [dreg:$0x5];
	[sflag:s16] =	ssyncadd.s32 $0xFFFFC000  }
0x9c: {  	[hbm4b:s5+s3] =	stream.linear.scatter [tilespmem:s21], [sflag:$0x8], $0x4000, $0x38;
	[tilespmem:$0x1DC00] =	vst v63  }
0x9d: {  	_ =	swait.ge [sflag:s19], $0x4000  }
0x9e: {  	[sflag:s19] =	ssyncset.done $0x0  }
0x9f: {  	s6 =	simm.s32 $0x1880;
	[sflag:s19] =	ssyncadd.s32 $0xFFFFC000  }
0xa0: {  	[tilespmem:s21], [sflag:$0x1] =	stream.indirect.gather [hbm4b:s1+s20], $0x80, s6, s20, $0xb8;
	[tilespmem:$0x1DC00] =	vst v63  }
0xa1: {  	_ =	swait.ge [sflag:s17], $0x4000  }
0xa2: {  	[sflag:s17] =	ssyncset.done $0x0  }
0xa3: {  	s7 =	rddreg [dreg:$0x6];
	[sflag:s17] =	ssyncadd.s32 $0xFFFFC000  }
0xa4: {  	[hbm4b:s7+s3] =	stream.linear.scatter [tilespmem:s22], [sflag:$0x8], $0x4000, $0x38;
	[tilespmem:$0x1DC00] =	vst v63  }
0xa5: {  	_ =	swait.ge [sflag:s19], $0x4000  }
0xa6: {  	[sflag:s19] =	ssyncset.done $0x0  }
0xa7: {  	[sflag:s19] =	ssyncadd.s32 $0xFFFFC000  }
0xa8: {  	_ =	swait.ge [sflag:s18], $0x4000  }
0xa9: {  	[sflag:s18] =	ssyncset.done $0x0  }
0xaa: {  	s8 =	rddreg [dreg:$0x7];
	[sflag:s18] =	ssyncadd.s32 $0xFFFFC000  }
0xab: {  	[hbm4b:s8+s3] =	stream.linear.scatter [tilespmem:s24], [sflag:$0x8], $0x4000, $0x38;
	[tilespmem:$0x1DC00] =	vst v63  }
0xac: {  	_ =	swait.ge [sflag:s19], $0x4000  }
0xad: {  	[sflag:s19] =	ssyncset.done $0x0  }
0xae: {  	[sflag:s19] =	ssyncadd.s32 $0xFFFFC000  }
0xaf: {  	_ =	swait.ge [sflag:s23], $0x4000  }
0xb0: {  	[sflag:s23] =	ssyncset.done $0x0  }
0xb1: {  	[sflag:s23] =	ssyncadd.s32 $0xFFFFC000  }
0xb2: {  	[hbm4b:s9+s3] =	stream.linear.scatter [tilespmem:s26], [sflag:$0x8], $0x4000, $0x38;
	[tilespmem:$0x1DC00] =	vst v63  }
0xb3: {  	_ =	swait.ge [sflag:s19], $0x4000  }
0xb4: {  	[sflag:s19] =	ssyncset.done $0x0  }
0xb5: {  	[sflag:s19] =	ssyncadd.s32 $0xFFFFC000  }
0xb6: {  	_ =	swait.ge [sflag:s25], $0x4000  }
0xb7: {  	[sflag:s25] =	ssyncset.done $0x0  }
0xb8: {  	[sflag:s25] =	ssyncadd.s32 $0xFFFFC000  }
0xb9: {  	[hbm4b:s10+s3] =	stream.linear.scatter [tilespmem:s29], [sflag:$0x8], $0x4000, $0x38;
	[tilespmem:$0x1DC00] =	vst v63  }
0xba: {  	_ =	swait.ge [sflag:s19], $0x4000  }
0xbb: {  	[sflag:s19] =	ssyncset.done $0x0  }
0xbc: {  	[sflag:s19] =	ssyncadd.s32 $0xFFFFC000  }
0xbd: {  	_ =	swait.ge [sflag:s28], $0x4000  }
0xbe: {  	[sflag:s28] =	ssyncset.done $0x0  }
0xbf: {  	[sflag:s28] =	ssyncadd.s32 $0xFFFFC000  }
0xc0: {  	[hbm4b:s11+s3] =	stream.linear.scatter [tilespmem:s31], [sflag:$0x8], $0x4000, $0x38;
	[tilespmem:$0x1DC00] =	vst v63  }
0xc1: {  	_ =	swait.ge [sflag:s19], $0x4000  }
0xc2: {  	[sflag:s19] =	ssyncset.done $0x0  }
0xc3: {  	[sflag:s19] =	ssyncadd.s32 $0xFFFFC000  }
0xc4: {  	_ =	swait.ge [sflag:s30], $0x4000  }
0xc5: {  	[sflag:s30] =	ssyncset.done $0x0  }
0xc6: {  	[sflag:s30] =	ssyncadd.s32 $0xFFFFC000  }
0xc7: {  	[hbm4b:s12+s3] =	stream.linear.scatter [tilespmem:s2], [sflag:$0x8], $0x4000, $0x38;
	[tilespmem:$0x1DC00] =	vst v63  }
0xc8: {  	_ =	swait.ge [sflag:s19], $0x4000  }
0xc9: {  	[sflag:s19] =	ssyncset.done $0x0  }
0xca: {  	[sflag:s19] =	ssyncadd.s32 $0xFFFFC000  }
0xcb: {  	s0 =	sadd.s32 $0x1, s0;
	_ =	swait.ge [sflag:s16], $0x4000  }
0xcc: {  	p0 =	sne.s32 s0, s14;
	[sflag:s16] =	ssyncset.done $0x0  }
.Ltmp1:
0xcd: {  	[sflag:s16] =	ssyncadd.s32 $0xFFFFC000;
	(pc) =	sbr.rel @p0 .LBB2_1-.Ltmp1, $4  }
0xce: {  	[hbm4b:s13+s3] =	stream.linear.scatter [tilespmem:s21], [sflag:$0x8], $0x4000, $0x38;
	[tilespmem:$0x1DC00] =	vst v63  }
0xcf: {  	_ =	swait.ge [sflag:s19], $0x4000  }
0xd0: {  	[sflag:s19] =	ssyncset.done $0x0  }
0xd1: {  	[sflag:s19] =	ssyncadd.s32 $0xFFFFC000  }
0xd2: {  	_ =	sfence.sel $0x180000  }
0xd3: {  	[bflag:$0x0] =	sbarrier.arrive $0xFFFF  }
0xd4: {  	_ =	strace $0x90000047  }
0xd5: {  	s0 =	stileid.u32;
	[bflag:$0x2] =	sbarrier.arrive $0xFFFF  }
0xd6: {  	p0 =	sne.s32 s0, $0x0;
	s0 =	rddreg [dreg:$0x3]  }
0xd7: {  	s0 =	sadd.s32 @!p0 $0x100000, s0  }
0xd8: {  	[sflag:s0] =	ssyncadd.tile.s32 @!p0 $0x1;
	_ =	shalt  }
.Lfunc_end2:
_tile_overlayer_lowered:
.L_overlay_start_2:
0xd9: {  	(tag) =	ssettag $0x2  }
0xda: {  	s0 =	rddreg [dreg:$0x0];
	s2 =	stileid.u32  }
0xdb: {  	s1 =	rddreg [dreg:$0x1];
	p0 =	sne.s32 s2, $0x0  }
0xdc: {  	s3 =	rddreg [dreg:$0x2];
	[bflag:$0x3] =	sbarrier.arrive $0xFFFF;
	s2 =	simm.s32 @!p0 $0x1C08  }
0xdd: {  	[timem:s3], [sflag:s2] =	dma.local @!p0 [hbm:s0], s1  }
0xde: {  	s0 =	simm.s32 @!p0 $0x8  }
0xdf: {  	_ =	swait.ge @!p0 [sflag:s0], s1  }
0xe0: {  	s1 =	ssub.s32 @!p0 $0x0, s1;
	[sflag:s0] =	ssyncset.done @!p0 $0x0  }
0xe1: {  	[sflag:s0] =	ssyncadd.s32 @!p0 s1  }
0xe2: {  	[bflag:$0x3] =	sbarrier.arrive $0xFFFF  }
0xe3: {  	_ =	shalt  }

</sc_bundles>
